<compile_context>
chip_gen: v7x
topology: tpu7x:2x2x1
jax: 0.10.2.dev20260603
libtpu: 0.0.44.dev20260713+nightly
codegen_flags: <defaults>
</compile_context>

<pallas_src>
import functools

import jax
import jax.numpy as jnp
from jax import lax
from jax.experimental import pallas as pl
from jax.experimental.pallas import tpu as pltpu
from jax.experimental.pallas import tpu_sc as plsc

N_NODES = 100000
WALK_LENGTH = 16
EMBED_DIM = 16

NSC = 2
NTILES = 16
NW = NSC * NTILES
L = 16
NPAD = 102400
SLICE = NPAD // NTILES
WSLICE = NPAD // NW
CHUNK = 1024
VPC = CHUNK // L
NCH = 98
NPAIR = NCH // 2
EPT = CHUNK * NCH
E_PAD = EPT * NW
E_ALLOC = E_PAD + 2 * CHUNK
STEPS = WALK_LENGTH - 1
NVS = SLICE // L
NVW = WSLICE // L
FROWS = NW * L


def _rsqrt_nr(d):
    i = lax.bitcast_convert_type(d, jnp.int32)
    i = jnp.int32(0x5F3759DF) - (i >> 1)
    y = lax.bitcast_convert_type(i, jnp.float32)
    for _ in range(3):
        y = y * (1.5 - 0.5 * d * y * y)
    return y


def _walk_body(row_hbm, col_hbm, flags_hbm, probs_hbm, q_hbm, part_hbm,
               q_local, rowb_a, colb_a, valb_a, rowb_b, colb_b, valb_b,
               accs, bufb, dinvs, flagv, flagall, acc_sh,
               sem_ld_a, sem_ld_b, sem_sc_a, sem_sc_b):
    cid = lax.axis_index("c")
    tid = lax.axis_index("s")
    wid = cid * NTILES + tid
    sbase = tid * SLICE
    wbase = wid * WSLICE
    ebase = wid * EPT
    zeros16 = jnp.zeros((L,), jnp.float32)
    inv_n = jnp.float32(1.0 / N_NODES)

    def _gbarrier(k):
        flagv[...] = jnp.zeros((L,), jnp.int32) + k
        pltpu.sync_copy(flagv, flags_hbm.at[pl.ds(wid * L, L)])

        def _poll(_):
            pltpu.sync_copy(flags_hbm, flagall)
            m = flagall[pl.ds(0, L)]
            for r in range(1, NW):
                m = jnp.minimum(m, flagall[pl.ds(r * L, L)])
            return jnp.min(m)
        lax.while_loop(lambda m: m < k, _poll, jnp.int32(0))

    def _zero_acc_and_publish():
        @plsc.parallel_loop(0, NVS, unroll=4)
        def _zero_slice(i):
            accs[pl.ds(i * L, L)] = zeros16
        pltpu.sync_copy(accs, acc_sh.at[pl.ds(sbase, SLICE)])

    def _eb(c):
        return pl.multiple_of(ebase + c * CHUNK, 8)

    def _prime():
        def _fill(i, _):
            colb_b[pl.ds(i * L, L)] = jnp.full((L,), NPAD - 1, jnp.int32)
            return 0
        lax.fori_loop(0, VPC, _fill, 0)
        pltpu.async_copy(valb_b, acc_sh.at[colb_b], sem_sc_b, add=True)

    def _gather(rb, vb):
        @plsc.parallel_loop(0, VPC, unroll=4)
        def _g(i):
            o = i * L
            vb[pl.ds(o, L)] = plsc.load_gather(q_local, [rb[pl.ds(o, L)]])

    _zero_acc_and_publish()
    plsc.subcore_barrier()

    _prime()
    pltpu.async_copy(col_hbm.at[pl.ds(_eb(0), CHUNK)], colb_a, sem_ld_a)

    def _ones_body(i, _):
        valb_a[pl.ds(i * L, L)] = zeros16 + 1.0
        valb_b[pl.ds(i * L, L)] = zeros16 + 1.0
        return 0
    lax.fori_loop(0, VPC, _ones_body, 0)

    def _deg_pair(p, _):
        c0 = 2 * p
        pltpu.make_async_copy(
            col_hbm.at[pl.ds(_eb(c0), CHUNK)], colb_a, sem_ld_a).wait()
        pltpu.make_async_copy(valb_b, acc_sh.at[colb_b], sem_sc_b).wait()
        pltpu.async_copy(col_hbm.at[pl.ds(_eb(c0 + 1), CHUNK)], colb_b, sem_ld_b)
        pltpu.async_copy(valb_a, acc_sh.at[colb_a], sem_sc_a, add=True)
        pltpu.make_async_copy(
            col_hbm.at[pl.ds(_eb(c0 + 1), CHUNK)], colb_b, sem_ld_b).wait()
        pltpu.make_async_copy(valb_a, acc_sh.at[colb_a], sem_sc_a).wait()
        pltpu.async_copy(col_hbm.at[pl.ds(_eb(c0 + 2), CHUNK)], colb_a, sem_ld_a)
        pltpu.async_copy(valb_b, acc_sh.at[colb_b], sem_sc_b, add=True)
        return 0
    lax.fori_loop(0, NPAIR, _deg_pair, 0)
    pltpu.make_async_copy(
        col_hbm.at[pl.ds(_eb(NCH), CHUNK)], colb_a, sem_ld_a).wait()
    pltpu.make_async_copy(valb_b, acc_sh.at[colb_b], sem_sc_b).wait()
    plsc.subcore_barrier()
    pltpu.sync_copy(acc_sh.at[pl.ds(sbase, SLICE)],
                    part_hbm.at[pl.ds(cid * NPAD + sbase, SLICE)])
    _gbarrier(1)

    pltpu.sync_copy(part_hbm.at[pl.ds(wbase, WSLICE)], accs.at[pl.ds(0, WSLICE)])
    pltpu.sync_copy(part_hbm.at[pl.ds(NPAD + wbase, WSLICE)], bufb)

    def _init_body(i, _):
        deg = accs[pl.ds(i * L, L)] + bufb[pl.ds(i * L, L)] + 1.0
        dinvs[pl.ds(i * L, L)] = _rsqrt_nr(deg)
        accs[pl.ds(i * L, L)] = zeros16 + inv_n
        return 0
    lax.fori_loop(0, NVW, _init_body, 0)
    pltpu.sync_copy(accs.at[pl.ds(0, WSLICE)], probs_hbm.at[pl.ds(wbase, WSLICE)])

    def _q0_body(i, _):
        accs[pl.ds(i * L, L)] = dinvs[pl.ds(i * L, L)] * inv_n
        return 0
    lax.fori_loop(0, NVW, _q0_body, 0)
    pltpu.sync_copy(accs.at[pl.ds(0, WSLICE)], q_hbm.at[pl.ds(wbase, WSLICE)])
    _zero_acc_and_publish()
    _gbarrier(2)
    pltpu.sync_copy(q_hbm, q_local)

    def _step_body(t, _):
        _prime()
        pltpu.async_copy(row_hbm.at[pl.ds(_eb(0), CHUNK)], rowb_a, sem_ld_a)
        pltpu.async_copy(col_hbm.at[pl.ds(_eb(0), CHUNK)], colb_a, sem_ld_a)

        def _pair(p, _p):
            c0 = 2 * p
            pltpu.make_async_copy(
                row_hbm.at[pl.ds(_eb(c0), CHUNK)], rowb_a, sem_ld_a).wait()
            pltpu.make_async_copy(
                col_hbm.at[pl.ds(_eb(c0), CHUNK)], colb_a, sem_ld_a).wait()
            pltpu.make_async_copy(valb_b, acc_sh.at[colb_b], sem_sc_b).wait()
            pltpu.async_copy(row_hbm.at[pl.ds(_eb(c0 + 1), CHUNK)], rowb_b, sem_ld_b)
            pltpu.async_copy(col_hbm.at[pl.ds(_eb(c0 + 1), CHUNK)], colb_b, sem_ld_b)
            _gather(rowb_a, valb_a)
            pltpu.async_copy(valb_a, acc_sh.at[colb_a], sem_sc_a, add=True)
            pltpu.make_async_copy(
                row_hbm.at[pl.ds(_eb(c0 + 1), CHUNK)], rowb_b, sem_ld_b).wait()
            pltpu.make_async_copy(
                col_hbm.at[pl.ds(_eb(c0 + 1), CHUNK)], colb_b, sem_ld_b).wait()
            _gather(rowb_b, valb_b)
            pltpu.make_async_copy(valb_a, acc_sh.at[colb_a], sem_sc_a).wait()
            pltpu.async_copy(row_hbm.at[pl.ds(_eb(c0 + 2), CHUNK)], rowb_a, sem_ld_a)
            pltpu.async_copy(col_hbm.at[pl.ds(_eb(c0 + 2), CHUNK)], colb_a, sem_ld_a)
            pltpu.async_copy(valb_b, acc_sh.at[colb_b], sem_sc_b, add=True)
            return 0
        lax.fori_loop(0, NPAIR, _pair, 0)
        pltpu.make_async_copy(
            row_hbm.at[pl.ds(_eb(NCH), CHUNK)], rowb_a, sem_ld_a).wait()
        pltpu.make_async_copy(
            col_hbm.at[pl.ds(_eb(NCH), CHUNK)], colb_a, sem_ld_a).wait()
        pltpu.make_async_copy(valb_b, acc_sh.at[colb_b], sem_sc_b).wait()
        plsc.subcore_barrier()
        pltpu.sync_copy(acc_sh.at[pl.ds(sbase, SLICE)],
                        part_hbm.at[pl.ds(cid * NPAD + sbase, SLICE)])
        _gbarrier(3 + 2 * t)

        pltpu.sync_copy(part_hbm.at[pl.ds(wbase, WSLICE)],
                        accs.at[pl.ds(0, WSLICE)])
        pltpu.sync_copy(part_hbm.at[pl.ds(NPAD + wbase, WSLICE)], bufb)

        @plsc.parallel_loop(0, NVW, unroll=4)
        def _upd_body(i):
            s = accs[pl.ds(i * L, L)] + bufb[pl.ds(i * L, L)]
            qv = q_local[pl.ds(wbase + i * L, L)]
            dv = dinvs[pl.ds(i * L, L)]
            pv = qv / dv
            accs[pl.ds(i * L, L)] = 0.9 * (dv * (s + qv)) + 0.1 * pv
        off = pl.multiple_of((t + 1) * NPAD + wbase, 8)
        pltpu.sync_copy(accs.at[pl.ds(0, WSLICE)], probs_hbm.at[pl.ds(off, WSLICE)])

        @plsc.parallel_loop(0, NVW, unroll=4)
        def _qn_body(i):
            accs[pl.ds(i * L, L)] = accs[pl.ds(i * L, L)] * dinvs[pl.ds(i * L, L)]
        pltpu.sync_copy(accs.at[pl.ds(0, WSLICE)], q_hbm.at[pl.ds(wbase, WSLICE)])
        _zero_acc_and_publish()
        _gbarrier(4 + 2 * t)
        pltpu.sync_copy(q_hbm, q_local)
        return 0
    lax.fori_loop(0, STEPS, _step_body, 0)


_walk = functools.partial(
    pl.kernel,
    out_type=[
        jax.ShapeDtypeStruct((WALK_LENGTH * NPAD,), jnp.float32),
        jax.ShapeDtypeStruct((NPAD,), jnp.float32),
        jax.ShapeDtypeStruct((NSC * NPAD,), jnp.float32),
    ],
    mesh=plsc.VectorSubcoreMesh(core_axis_name="c", subcore_axis_name="s"),
    compiler_params=pltpu.CompilerParams(needs_layout_passes=False),
    scratch_types=[
        pltpu.VMEM((NPAD,), jnp.float32),
        pltpu.VMEM((CHUNK,), jnp.int32),
        pltpu.VMEM((CHUNK,), jnp.int32),
        pltpu.VMEM((CHUNK,), jnp.float32),
        pltpu.VMEM((CHUNK,), jnp.int32),
        pltpu.VMEM((CHUNK,), jnp.int32),
        pltpu.VMEM((CHUNK,), jnp.float32),
        pltpu.VMEM((SLICE,), jnp.float32),
        pltpu.VMEM((WSLICE,), jnp.float32),
        pltpu.VMEM((WSLICE,), jnp.float32),
        pltpu.VMEM((L,), jnp.int32),
        pltpu.VMEM((FROWS,), jnp.int32),
        pltpu.VMEM_SHARED((NPAD,), jnp.float32),
        pltpu.SemaphoreType.DMA,
        pltpu.SemaphoreType.DMA,
        pltpu.SemaphoreType.DMA,
        pltpu.SemaphoreType.DMA,
    ],
)(_walk_body)


BN = 2048


def _linear_body(p_ref, w_ref, b_ref, o_ref):
    o_ref[...] = lax.dot_general(
        p_ref[...], w_ref[...], (((0,), (1,)), ((), ())),
        preferred_element_type=jnp.float32) + b_ref[...]


def _linear(probs2d, W, b2d):
    return pl.pallas_call(
        _linear_body,
        grid=(NPAD // BN,),
        in_specs=[
            pl.BlockSpec((WALK_LENGTH, BN), lambda i: (0, i)),
            pl.BlockSpec((EMBED_DIM, WALK_LENGTH), lambda i: (0, 0)),
            pl.BlockSpec((1, EMBED_DIM), lambda i: (0, 0)),
        ],
        out_specs=pl.BlockSpec((BN, EMBED_DIM), lambda i: (i, 0)),
        out_shape=jax.ShapeDtypeStruct((NPAD, EMBED_DIM), jnp.float32),
    )(probs2d, W, b2d)


def _zeroflags_body(o_ref):
    o_ref[...] = jnp.zeros((1, FROWS), jnp.int32)


def _zeroflags():
    out = pl.pallas_call(
        _zeroflags_body,
        out_shape=jax.ShapeDtypeStruct((1, FROWS), jnp.int32),
    )()
    return out.reshape(FROWS)


def kernel(edge_index, num_nodes, W, b):
    ei = edge_index.astype(jnp.int32)
    row, col = ei[0], ei[1]
    pad = E_ALLOC - row.shape[0]
    row_p = jnp.concatenate([row, jnp.zeros((pad,), jnp.int32)])
    col_p = jnp.concatenate([col, jnp.full((pad,), N_NODES, jnp.int32)])
    flags0 = _zeroflags()
    probs_flat, _, _ = _walk(row_p, col_p, flags0)
    probs2d = probs_flat.reshape(WALK_LENGTH, NPAD)
    out = _linear(probs2d, W.astype(jnp.float32),
                  b.astype(jnp.float32).reshape(1, EMBED_DIM))
    return out[:N_NODES]

# --- scband reference (transcript-rebuilt; emitter-appended) ---
"""Pipeline reference for scband-random-walk-positional-encoding-3959959847625 (READ-ONLY COPY).

The authoritative reference and input builder live on the scoring server;
editing this copy changes nothing except your own understanding.
"""

import jax, jax.numpy as jnp
import numpy as np

WALK_LENGTH = 16
EMBED_DIM = 16
N_NODES = 100000
N_EDGES = 3200000

def setup_inputs(seed: int = 0) -> dict:
    key = jax.random.key(seed)
    k1, k2, k3 = jax.random.split(key, 3)
    edge_index = jax.random.randint(k1, (2, N_EDGES), 0, N_NODES, dtype=jnp.int64 if jax.config.jax_enable_x64 else jnp.int32)
    W = jax.random.normal(k2, (EMBED_DIM, WALK_LENGTH), dtype=jnp.float32) * (1.0 / np.sqrt(WALK_LENGTH))
    b = jax.random.normal(k3, (EMBED_DIM,), dtype=jnp.float32) * 0.01
    return {"edge_index": edge_index, "num_nodes": N_NODES, "W": W, "b": b}

def reference(edge_index, num_nodes, W, b):
    walk_length = WALK_LENGTH
    # add_self_loops
    loops = jnp.arange(N_NODES, dtype=edge_index.dtype)
    ei = jnp.concatenate([edge_index, jnp.stack([loops, loops], axis=0)], axis=1)
    row, col = ei[0], ei[1]
    # degree of col (dst) over num_nodes
    deg = jnp.zeros((N_NODES,), dtype=jnp.float32).at[col].add(1.0)
    deg_inv_sqrt = jnp.where(deg > 0, deg ** -0.5, 0.0)
    norm = deg_inv_sqrt[row] * deg_inv_sqrt[col]
    # uniform initial probability (batch=None branch)
    prob = jnp.ones((N_NODES,), dtype=jnp.float32) / num_nodes
    probs = []
    for step in range(walk_length):
        probs.append(prob)
        # vectorized form of: for i,(r,c): new_prob[c] += prob[r]*norm[i]
        new_prob = jnp.zeros((N_NODES,), dtype=jnp.float32).at[col].add(prob[row] * norm)
        prob = new_prob * 0.9 + prob * 0.1
    rw_probs = jnp.stack(probs, axis=1)  # [num_nodes, walk_length]
    # nn.Linear(walk_length, embed_dim): x @ W.T + b
    return rw_probs @ W.T + b

if __name__ == "__main__":
    import jax
    _d = setup_inputs()
    print(jax.jit(kernel)(*tuple(_d.values())))

</pallas_src>

<mosaic_0001>
#map = affine_map<(d0, d1) -> (0)>
module attributes {stable_mosaic.version = 14 : i64} {
  func.func @_walk_body(%arg0: i32, %arg1: i32, %arg2: memref<3213312xi32, #tpu.memory_space<hbm>>, %arg3: memref<3213312xi32, #tpu.memory_space<hbm>>, %arg4: memref<512xi32, #tpu.memory_space<hbm>>, %arg5: memref<1638400xf32, #tpu.memory_space<hbm>>, %arg6: memref<102400xf32, #tpu.memory_space<hbm>>, %arg7: memref<204800xf32, #tpu.memory_space<hbm>>, %arg8: memref<102400xf32, #tpu.memory_space<vmem>>, %arg9: memref<1024xi32, #tpu.memory_space<vmem>>, %arg10: memref<1024xi32, #tpu.memory_space<vmem>>, %arg11: memref<1024xf32, #tpu.memory_space<vmem>>, %arg12: memref<1024xi32, #tpu.memory_space<vmem>>, %arg13: memref<1024xi32, #tpu.memory_space<vmem>>, %arg14: memref<1024xf32, #tpu.memory_space<vmem>>, %arg15: memref<6400xf32, #tpu.memory_space<vmem>>, %arg16: memref<3200xf32, #tpu.memory_space<vmem>>, %arg17: memref<3200xf32, #tpu.memory_space<vmem>>, %arg18: memref<16xi32, #tpu.memory_space<vmem>>, %arg19: memref<512xi32, #tpu.memory_space<vmem>>, %arg20: memref<102400xf32, #tpu.memory_space<vmem_shared>>, %arg21: memref<!tpu.dma_semaphore, #tpu.memory_space<semaphore_mem>>, %arg22: memref<!tpu.dma_semaphore, #tpu.memory_space<semaphore_mem>>, %arg23: memref<!tpu.dma_semaphore, #tpu.memory_space<semaphore_mem>>, %arg24: memref<!tpu.dma_semaphore, #tpu.memory_space<semaphore_mem>>) attributes {dimension_semantics = [#tpu.dimension_semantics<core_parallel>, #tpu.dimension_semantics<subcore_parallel>], iteration_bounds = array<i64: 2, 16>, scalar_prefetch = 0 : i64, scratch_operands = 17 : i64, tpu.core_type = #tpu.core_type<sc_vector_subcore>, window_params = [{transform_indices = #map}, {transform_indices = #map}, {transform_indices = #map}, {transform_indices = #map}, {transform_indices = #map}, {transform_indices = #map}]} {
    %mul3A = arith.constant 16 : i32
    %mul3A_0 = arith.muli %arg0, %mul3A : i32
    %add3A = arith.addi %mul3A_0, %arg1 : i32
    %mul3A_1 = arith.constant 6400 : i32
    %mul3A_2 = arith.muli %arg1, %mul3A_1 : i32
    %mul3A_3 = arith.constant 3200 : i32
    %mul3A_4 = arith.muli %add3A, %mul3A_3 : i32
    %mul3A_5 = arith.constant 100352 : i32
    %mul3A_6 = arith.muli %add3A, %mul3A_5 : i32
    %broadcast_in_dim3A = arith.constant 0.000000e+00 : f32
    %broadcast_in_dim3A_7 = vector.broadcast %broadcast_in_dim3A : f32 to vector<16xf32>
    %parallel_loop3A = arith.constant 0 : i32
    %parallel_loop3A_8 = arith.constant 400 : i32
    %parallel_loop3A_9 = arith.constant 1 : i32
    scf.for %parallel_loop3A_93 = %parallel_loop3A to %parallel_loop3A_8 step %parallel_loop3A_9  : i32 {
      %parallel_loop3A_94 = arith.constant 16 : i32
      %parallel_loop3A_95 = arith.muli %parallel_loop3A_93, %parallel_loop3A_94 : i32
      %parallel_loop3A_96 = arith.index_cast %parallel_loop3A_95 : i32 to index
      %parallel_loop3A_97 = tpu.vector_load %arg15[%parallel_loop3A_96] {strides = array<i32>} : memref<6400xf32, #tpu.memory_space<vmem>>, vector<16xf32>,
      tpu.vector_store %arg15[%parallel_loop3A_96], %broadcast_in_dim3A_7 {strides = array<i32>} : memref<6400xf32, #tpu.memory_space<vmem>>, vector<16xf32>,
    } {sc.loop_unroll_factor = 4 : i64, sc.parallel_access}
    "tpu.region"() ({
      %run_scoped3A = tpu.sem_alloc : memref<!tpu.dma_semaphore, #tpu.memory_space<semaphore_mem>>
      %dma_start3A_93 = tpu.memref_slice %arg20[%mul3A_2] : memref<102400xf32, #tpu.memory_space<vmem_shared>> -> memref<6400xf32, #tpu.memory_space<vmem_shared>>
      %dma_start3A_94 = tpu.memref_slice %arg20[%mul3A_2] : memref<102400xf32, #tpu.memory_space<vmem_shared>> -> memref<6400xf32, #tpu.memory_space<vmem_shared>>
      tpu.enqueue_dma source(%arg15 : memref<6400xf32, #tpu.memory_space<vmem>>) target(%dma_start3A_94 : memref<6400xf32, #tpu.memory_space<vmem_shared>>) target_semaphore(%run_scoped3A : memref<!tpu.dma_semaphore, #tpu.memory_space<semaphore_mem>>)
      %dma_wait3A_95 = tpu.memref_slice %arg20[%mul3A_2] : memref<102400xf32, #tpu.memory_space<vmem_shared>> -> memref<6400xf32, #tpu.memory_space<vmem_shared>>
      %dma_wait3A_96 = tpu.memref_slice %arg20[%mul3A_2] : memref<102400xf32, #tpu.memory_space<vmem_shared>> -> memref<6400xf32, #tpu.memory_space<vmem_shared>>
      tpu.wait_dma2 semaphore(%run_scoped3A : memref<!tpu.dma_semaphore, #tpu.memory_space<semaphore_mem>>) src(%arg15 : memref<6400xf32, #tpu.memory_space<vmem>>) dst(%dma_wait3A_96 : memref<6400xf32, #tpu.memory_space<vmem_shared>>)
      tpu.yield
    }) : () -> ()
    %barrier3A = arith.constant 0 : index
    tpu.barrier barrier_id(%barrier3A)
    %scan3A = arith.constant 0 : i32
    %scan3A_10 = arith.constant 0 : i32
    %scan3A_11 = arith.constant 64 : i32
    %scan3A_12 = arith.addi %scan3A_10, %scan3A_11 : i32
    %scan3A_13 = arith.constant 1 : i32
    %scan3A_14 = scf.for %scan3A_93 = %scan3A_10 to %scan3A_12 step %scan3A_13 iter_args(%scan3A_94 = %scan3A) -> (i32)  : i32 {
      %broadcast_in_dim3A_95 = arith.constant 102399 : i32
      %broadcast_in_dim3A_96 = vector.broadcast %broadcast_in_dim3A_95 : i32 to vector<16xi32>
      %mul3A_97 = arith.constant 16 : i32
      %mul3A_98 = arith.muli %scan3A_93, %mul3A_97 : i32
      %swap3A_99 = arith.index_cast %mul3A_98 : i32 to index
      %swap3A_100 = tpu.vector_load %arg13[%swap3A_99] {strides = array<i32>} : memref<1024xi32, #tpu.memory_space<vmem>>, vector<16xi32>,
      tpu.vector_store %arg13[%swap3A_99], %broadcast_in_dim3A_96 {strides = array<i32>} : memref<1024xi32, #tpu.memory_space<vmem>>, vector<16xi32>,
      %scan3A_101 = arith.constant 0 : i32
      scf.yield %scan3A_101 : i32
    }
    %scan3A_15 = arith.constant 64 : i32
    %dma_start3A = arith.constant 0 : i32
    %dma_start3A_16 = tpu.memref_slice %arg20[%dma_start3A] : memref<102400xf32, #tpu.memory_space<vmem_shared>> -> memref<102400xf32, #tpu.memory_space<vmem_shared>>
    tpu.enqueue_indirect_dma source(%arg14 : memref<1024xf32, #tpu.memory_space<vmem>>) target(%dma_start3A_16 : memref<102400xf32, #tpu.memory_space<vmem_shared>>) offsets(%arg13 : memref<1024xi32, #tpu.memory_space<vmem>>) semaphore(%arg24 : memref<!tpu.dma_semaphore, #tpu.memory_space<semaphore_mem>>) {add = true}
    %add3A_17 = arith.constant 0 : i32
    %add3A_18 = arith.addi %mul3A_6, %add3A_17 : i32
    %multiple_of3A = tpu.assume_multiple %add3A_18, 8 : i32
    %dma_start3A_19 = tpu.memref_slice %arg3[%multiple_of3A] : memref<3213312xi32, #tpu.memory_space<hbm>> -> memref<1024xi32, #tpu.memory_space<hbm>>
    %dma_start3A_20 = tpu.memref_slice %arg3[%multiple_of3A] : memref<3213312xi32, #tpu.memory_space<hbm>> -> memref<1024xi32, #tpu.memory_space<hbm>>
    tpu.enqueue_dma source(%dma_start3A_20 : memref<1024xi32, #tpu.memory_space<hbm>>) target(%arg10 : memref<1024xi32, #tpu.memory_space<vmem>>) target_semaphore(%arg21 : memref<!tpu.dma_semaphore, #tpu.memory_space<semaphore_mem>>)
    %scan3A_21 = arith.constant 0 : i32
    %scan3A_22 = arith.constant 0 : i32
    %scan3A_23 = arith.constant 64 : i32
    %scan3A_24 = arith.addi %scan3A_22, %scan3A_23 : i32
    %scan3A_25 = arith.constant 1 : i32
    %scan3A_26 = scf.for %scan3A_93 = %scan3A_22 to %scan3A_24 step %scan3A_25 iter_args(%scan3A_94 = %scan3A_21) -> (i32)  : i32 {
      %add3A_95 = arith.constant 1.000000e+00 : f32
      %add3A_96 = vector.broadcast %add3A_95 : f32 to vector<16xf32>
      %add3A_97 = arith.addf %broadcast_in_dim3A_7, %add3A_96 : vector<16xf32>
      %mul3A_98 = arith.constant 16 : i32
      %mul3A_99 = arith.muli %scan3A_93, %mul3A_98 : i32
      %swap3A_100 = arith.index_cast %mul3A_99 : i32 to index
      %swap3A_101 = tpu.vector_load %arg11[%swap3A_100] {strides = array<i32>} : memref<1024xf32, #tpu.memory_space<vmem>>, vector<16xf32>,
      tpu.vector_store %arg11[%swap3A_100], %add3A_97 {strides = array<i32>} : memref<1024xf32, #tpu.memory_space<vmem>>, vector<16xf32>,
      %add3A_102 = arith.constant 1.000000e+00 : f32
      %add3A_103 = vector.broadcast %add3A_102 : f32 to vector<16xf32>
      %add3A_104 = arith.addf %broadcast_in_dim3A_7, %add3A_103 : vector<16xf32>
      %mul3A_105 = arith.constant 16 : i32
      %mul3A_106 = arith.muli %scan3A_93, %mul3A_105 : i32
      %swap3A_107 = arith.index_cast %mul3A_106 : i32 to index
      %swap3A_108 = tpu.vector_load %arg14[%swap3A_107] {strides = array<i32>} : memref<1024xf32, #tpu.memory_space<vmem>>, vector<16xf32>,
      tpu.vector_store %arg14[%swap3A_107], %add3A_104 {strides = array<i32>} : memref<1024xf32, #tpu.memory_space<vmem>>, vector<16xf32>,
      %scan3A_109 = arith.constant 0 : i32
      scf.yield %scan3A_109 : i32
    }
    %scan3A_27 = arith.constant 64 : i32
    %scan3A_28 = arith.constant 0 : i32
    %scan3A_29 = arith.constant 0 : i32
    %scan3A_30 = arith.constant 49 : i32
    %scan3A_31 = arith.addi %scan3A_29, %scan3A_30 : i32
    %scan3A_32 = arith.constant 1 : i32
    %scan3A_33 = scf.for %scan3A_93 = %scan3A_29 to %scan3A_31 step %scan3A_32 iter_args(%scan3A_94 = %scan3A_28) -> (i32)  : i32 {
      %mul3A_95 = arith.constant 2 : i32
      %mul3A_96 = arith.muli %mul3A_95, %scan3A_93 : i32
      %mul3A_97 = arith.constant 1024 : i32
      %mul3A_98 = arith.muli %mul3A_96, %mul3A_97 : i32
      %add3A_99 = arith.addi %mul3A_6, %mul3A_98 : i32
      %multiple_of3A_100 = tpu.assume_multiple %add3A_99, 8 : i32
      %dma_wait3A_101 = tpu.memref_slice %arg3[%multiple_of3A_100] : memref<3213312xi32, #tpu.memory_space<hbm>> -> memref<1024xi32, #tpu.memory_space<hbm>>
      %dma_wait3A_102 = tpu.memref_slice %arg3[%multiple_of3A_100] : memref<3213312xi32, #tpu.memory_space<hbm>> -> memref<1024xi32, #tpu.memory_space<hbm>>
      tpu.wait_dma2 semaphore(%arg21 : memref<!tpu.dma_semaphore, #tpu.memory_space<semaphore_mem>>) src(%dma_wait3A_102 : memref<1024xi32, #tpu.memory_space<hbm>>) dst(%arg10 : memref<1024xi32, #tpu.memory_space<vmem>>)
      %dma_wait3A_103 = arith.constant 0 : i32
      %dma_wait3A_104 = tpu.memref_slice %arg20[%dma_wait3A_103] : memref<102400xf32, #tpu.memory_space<vmem_shared>> -> memref<102400xf32, #tpu.memory_space<vmem_shared>>
      tpu.wait_indirect_dma semaphore(%arg24 : memref<!tpu.dma_semaphore, #tpu.memory_space<semaphore_mem>>) src(%arg14 : memref<1024xf32, #tpu.memory_space<vmem>>) dst(%dma_wait3A_104 : memref<102400xf32, #tpu.memory_space<vmem_shared>>)
      %add3A_105 = arith.constant 1 : i32
      %add3A_106 = arith.addi %mul3A_96, %add3A_105 : i32
      %mul3A_107 = arith.constant 1024 : i32
      %mul3A_108 = arith.muli %add3A_106, %mul3A_107 : i32
      %add3A_109 = arith.addi %mul3A_6, %mul3A_108 : i32
      %multiple_of3A_110 = tpu.assume_multiple %add3A_109, 8 : i32
      %dma_start3A_111 = tpu.memref_slice %arg3[%multiple_of3A_110] : memref<3213312xi32, #tpu.memory_space<hbm>> -> memref<1024xi32, #tpu.memory_space<hbm>>
      %dma_start3A_112 = tpu.memref_slice %arg3[%multiple_of3A_110] : memref<3213312xi32, #tpu.memory_space<hbm>> -> memref<1024xi32, #tpu.memory_space<hbm>>
      tpu.enqueue_dma source(%dma_start3A_112 : memref<1024xi32, #tpu.memory_space<hbm>>) target(%arg13 : memref<1024xi32, #tpu.memory_space<vmem>>) target_semaphore(%arg22 : memref<!tpu.dma_semaphore, #tpu.memory_space<semaphore_mem>>)
      %dma_start3A_113 = arith.constant 0 : i32
      %dma_start3A_114 = tpu.memref_slice %arg20[%dma_start3A_113] : memref<102400xf32, #tpu.memory_space<vmem_shared>> -> memref<102400xf32, #tpu.memory_space<vmem_shared>>
      tpu.enqueue_indirect_dma source(%arg11 : memref<1024xf32, #tpu.memory_space<vmem>>) target(%dma_start3A_114 : memref<102400xf32, #tpu.memory_space<vmem_shared>>) offsets(%arg10 : memref<1024xi32, #tpu.memory_space<vmem>>) semaphore(%arg23 : memref<!tpu.dma_semaphore, #tpu.memory_space<semaphore_mem>>) {add = true}
      %add3A_115 = arith.constant 1 : i32
      %add3A_116 = arith.addi %mul3A_96, %add3A_115 : i32
      %mul3A_117 = arith.constant 1024 : i32
      %mul3A_118 = arith.muli %add3A_116, %mul3A_117 : i32
      %add3A_119 = arith.addi %mul3A_6, %mul3A_118 : i32
      %multiple_of3A_120 = tpu.assume_multiple %add3A_119, 8 : i32
      %dma_wait3A_121 = tpu.memref_slice %arg3[%multiple_of3A_120] : memref<3213312xi32, #tpu.memory_space<hbm>> -> memref<1024xi32, #tpu.memory_space<hbm>>
      %dma_wait3A_122 = tpu.memref_slice %arg3[%multiple_of3A_120] : memref<3213312xi32, #tpu.memory_space<hbm>> -> memref<1024xi32, #tpu.memory_space<hbm>>
      tpu.wait_dma2 semaphore(%arg22 : memref<!tpu.dma_semaphore, #tpu.memory_space<semaphore_mem>>) src(%dma_wait3A_122 : memref<1024xi32, #tpu.memory_space<hbm>>) dst(%arg13 : memref<1024xi32, #tpu.memory_space<vmem>>)
      %dma_wait3A_123 = arith.constant 0 : i32
      %dma_wait3A_124 = tpu.memref_slice %arg20[%dma_wait3A_123] : memref<102400xf32, #tpu.memory_space<vmem_shared>> -> memref<102400xf32, #tpu.memory_space<vmem_shared>>
      tpu.wait_indirect_dma semaphore(%arg23 : memref<!tpu.dma_semaphore, #tpu.memory_space<semaphore_mem>>) src(%arg11 : memref<1024xf32, #tpu.memory_space<vmem>>) dst(%dma_wait3A_124 : memref<102400xf32, #tpu.memory_space<vmem_shared>>)
      %add3A_125 = arith.constant 2 : i32
      %add3A_126 = arith.addi %mul3A_96, %add3A_125 : i32
      %mul3A_127 = arith.constant 1024 : i32
      %mul3A_128 = arith.muli %add3A_126, %mul3A_127 : i32
      %add3A_129 = arith.addi %mul3A_6, %mul3A_128 : i32
      %multiple_of3A_130 = tpu.assume_multiple %add3A_129, 8 : i32
      %dma_start3A_131 = tpu.memref_slice %arg3[%multiple_of3A_130] : memref<3213312xi32, #tpu.memory_space<hbm>> -> memref<1024xi32, #tpu.memory_space<hbm>>
      %dma_start3A_132 = tpu.memref_slice %arg3[%multiple_of3A_130] : memref<3213312xi32, #tpu.memory_space<hbm>> -> memref<1024xi32, #tpu.memory_space<hbm>>
      tpu.enqueue_dma source(%dma_start3A_132 : memref<1024xi32, #tpu.memory_space<hbm>>) target(%arg10 : memref<1024xi32, #tpu.memory_space<vmem>>) target_semaphore(%arg21 : memref<!tpu.dma_semaphore, #tpu.memory_space<semaphore_mem>>)
      %dma_start3A_133 = arith.constant 0 : i32
      %dma_start3A_134 = tpu.memref_slice %arg20[%dma_start3A_133] : memref<102400xf32, #tpu.memory_space<vmem_shared>> -> memref<102400xf32, #tpu.memory_space<vmem_shared>>
      tpu.enqueue_indirect_dma source(%arg14 : memref<1024xf32, #tpu.memory_space<vmem>>) target(%dma_start3A_134 : memref<102400xf32, #tpu.memory_space<vmem_shared>>) offsets(%arg13 : memref<1024xi32, #tpu.memory_space<vmem>>) semaphore(%arg24 : memref<!tpu.dma_semaphore, #tpu.memory_space<semaphore_mem>>) {add = true}
      %scan3A_135 = arith.constant 0 : i32
      scf.yield %scan3A_135 : i32
    }
    %scan3A_34 = arith.constant 49 : i32
    %add3A_35 = arith.constant 100352 : i32
    %add3A_36 = arith.addi %mul3A_6, %add3A_35 : i32
    %multiple_of3A_37 = tpu.assume_multiple %add3A_36, 8 : i32
    %dma_wait3A = tpu.memref_slice %arg3[%multiple_of3A_37] : memref<3213312xi32, #tpu.memory_space<hbm>> -> memref<1024xi32, #tpu.memory_space<hbm>>
    %dma_wait3A_38 = tpu.memref_slice %arg3[%multiple_of3A_37] : memref<3213312xi32, #tpu.memory_space<hbm>> -> memref<1024xi32, #tpu.memory_space<hbm>>
    tpu.wait_dma2 semaphore(%arg21 : memref<!tpu.dma_semaphore, #tpu.memory_space<semaphore_mem>>) src(%dma_wait3A_38 : memref<1024xi32, #tpu.memory_space<hbm>>) dst(%arg10 : memref<1024xi32, #tpu.memory_space<vmem>>)
    %dma_wait3A_39 = arith.constant 0 : i32
    %dma_wait3A_40 = tpu.memref_slice %arg20[%dma_wait3A_39] : memref<102400xf32, #tpu.memory_space<vmem_shared>> -> memref<102400xf32, #tpu.memory_space<vmem_shared>>
    tpu.wait_indirect_dma semaphore(%arg24 : memref<!tpu.dma_semaphore, #tpu.memory_space<semaphore_mem>>) src(%arg14 : memref<1024xf32, #tpu.memory_space<vmem>>) dst(%dma_wait3A_40 : memref<102400xf32, #tpu.memory_space<vmem_shared>>)
    %barrier3A_41 = arith.constant 0 : index
    tpu.barrier barrier_id(%barrier3A_41)
    %mul3A_42 = arith.constant 102400 : i32
    %mul3A_43 = arith.muli %arg0, %mul3A_42 : i32
    %add3A_44 = arith.addi %mul3A_43, %mul3A_2 : i32
    "tpu.region"() ({
      %run_scoped3A = tpu.sem_alloc : memref<!tpu.dma_semaphore, #tpu.memory_space<semaphore_mem>>
      %dma_start3A_93 = tpu.memref_slice %arg7[%add3A_44] : memref<204800xf32, #tpu.memory_space<hbm>> -> memref<6400xf32, #tpu.memory_space<hbm>>
      %dma_start3A_94 = tpu.memref_slice %arg20[%mul3A_2] : memref<102400xf32, #tpu.memory_space<vmem_shared>> -> memref<6400xf32, #tpu.memory_space<vmem_shared>>
      tpu.enqueue_dma source(%dma_start3A_94 : memref<6400xf32, #tpu.memory_space<vmem_shared>>) target(%dma_start3A_93 : memref<6400xf32, #tpu.memory_space<hbm>>) target_semaphore(%run_scoped3A : memref<!tpu.dma_semaphore, #tpu.memory_space<semaphore_mem>>)
      %dma_wait3A_95 = tpu.memref_slice %arg7[%add3A_44] : memref<204800xf32, #tpu.memory_space<hbm>> -> memref<6400xf32, #tpu.memory_space<hbm>>
      %dma_wait3A_96 = tpu.memref_slice %arg20[%mul3A_2] : memref<102400xf32, #tpu.memory_space<vmem_shared>> -> memref<6400xf32, #tpu.memory_space<vmem_shared>>
      tpu.wait_dma2 semaphore(%run_scoped3A : memref<!tpu.dma_semaphore, #tpu.memory_space<semaphore_mem>>) src(%dma_wait3A_96 : memref<6400xf32, #tpu.memory_space<vmem_shared>>) dst(%dma_wait3A_95 : memref<6400xf32, #tpu.memory_space<hbm>>)
      tpu.yield
    }) : () -> ()
    %broadcast_in_dim3A_45 = arith.constant 0 : i32
    %broadcast_in_dim3A_46 = vector.broadcast %broadcast_in_dim3A_45 : i32 to vector<16xi32>
    %add3A_47 = arith.constant 1 : i32
    %add3A_48 = vector.broadcast %add3A_47 : i32 to vector<16xi32>
    %add3A_49 = arith.addi %broadcast_in_dim3A_46, %add3A_48 : vector<16xi32>
    %swap3A = arith.constant 0 : index
    %swap3A_50 = tpu.vector_load %arg18[%swap3A] {strides = array<i32>} : memref<16xi32, #tpu.memory_space<vmem>>, vector<16xi32>,
    tpu.vector_store %arg18[%swap3A], %add3A_49 {strides = array<i32>} : memref<16xi32, #tpu.memory_space<vmem>>, vector<16xi32>,
    %mul3A_51 = arith.constant 16 : i32
    %mul3A_52 = arith.muli %add3A, %mul3A_51 : i32
    "tpu.region"() ({
      %run_scoped3A = tpu.sem_alloc : memref<!tpu.dma_semaphore, #tpu.memory_space<semaphore_mem>>
      %dma_start3A_93 = tpu.memref_slice %arg4[%mul3A_52] : memref<512xi32, #tpu.memory_space<hbm>> -> memref<16xi32, #tpu.memory_space<hbm>>
      %dma_start3A_94 = tpu.memref_slice %arg4[%mul3A_52] : memref<512xi32, #tpu.memory_space<hbm>> -> memref<16xi32, #tpu.memory_space<hbm>>
      tpu.enqueue_dma source(%arg18 : memref<16xi32, #tpu.memory_space<vmem>>) target(%dma_start3A_94 : memref<16xi32, #tpu.memory_space<hbm>>) target_semaphore(%run_scoped3A : memref<!tpu.dma_semaphore, #tpu.memory_space<semaphore_mem>>)
      %dma_wait3A_95 = tpu.memref_slice %arg4[%mul3A_52] : memref<512xi32, #tpu.memory_space<hbm>> -> memref<16xi32, #tpu.memory_space<hbm>>
      %dma_wait3A_96 = tpu.memref_slice %arg4[%mul3A_52] : memref<512xi32, #tpu.memory_space<hbm>> -> memref<16xi32, #tpu.memory_space<hbm>>
      tpu.wait_dma2 semaphore(%run_scoped3A : memref<!tpu.dma_semaphore, #tpu.memory_space<semaphore_mem>>) src(%arg18 : memref<16xi32, #tpu.memory_space<vmem>>) dst(%dma_wait3A_96 : memref<16xi32, #tpu.memory_space<hbm>>)
      tpu.yield
    }) : () -> ()
    %while3A = arith.constant 0 : i32
    %while3A_53 = scf.while (%while3A_93 = %while3A) : (i32) -> i32 {
      %lt3A = arith.constant 1 : i32
      %lt3A_94 = arith.cmpi slt, %while3A_93, %lt3A : i32
      scf.condition(%lt3A_94) %while3A_93 : i32
    } do {
    ^bb0(%while3A_93: i32):
      "tpu.region"() ({
        %run_scoped3A = tpu.sem_alloc : memref<!tpu.dma_semaphore, #tpu.memory_space<semaphore_mem>>
        tpu.enqueue_dma source(%arg4 : memref<512xi32, #tpu.memory_space<hbm>>) target(%arg19 : memref<512xi32, #tpu.memory_space<vmem>>) target_semaphore(%run_scoped3A : memref<!tpu.dma_semaphore, #tpu.memory_space<semaphore_mem>>)
        tpu.wait_dma2 semaphore(%run_scoped3A : memref<!tpu.dma_semaphore, #tpu.memory_space<semaphore_mem>>) src(%arg4 : memref<512xi32, #tpu.memory_space<hbm>>) dst(%arg19 : memref<512xi32, #tpu.memory_space<vmem>>)
        tpu.yield
      }) : () -> ()
      %get3A = arith.constant 0 : index
      %get3A_94 = tpu.vector_load %arg19[%get3A] {strides = array<i32>} : memref<512xi32, #tpu.memory_space<vmem>>, vector<16xi32>,
      %get3A_95 = arith.constant 16 : index
      %get3A_96 = tpu.vector_load %arg19[%get3A_95] {strides = array<i32>} : memref<512xi32, #tpu.memory_space<vmem>>, vector<16xi32>,
      %min3A = arith.minsi %get3A_94, %get3A_96 : vector<16xi32>
      %get3A_97 = arith.constant 32 : index
      %get3A_98 = tpu.vector_load %arg19[%get3A_97] {strides = array<i32>} : memref<512xi32, #tpu.memory_space<vmem>>, vector<16xi32>,
      %min3A_99 = arith.minsi %min3A, %get3A_98 : vector<16xi32>
      %get3A_100 = arith.constant 48 : index
      %get3A_101 = tpu.vector_load %arg19[%get3A_100] {strides = array<i32>} : memref<512xi32, #tpu.memory_space<vmem>>, vector<16xi32>,
      %min3A_102 = arith.minsi %min3A_99, %get3A_101 : vector<16xi32>
      %get3A_103 = arith.constant 64 : index
      %get3A_104 = tpu.vector_load %arg19[%get3A_103] {strides = array<i32>} : memref<512xi32, #tpu.memory_space<vmem>>, vector<16xi32>,
      %min3A_105 = arith.minsi %min3A_102, %get3A_104 : vector<16xi32>
      %get3A_106 = arith.constant 80 : index
      %get3A_107 = tpu.vector_load %arg19[%get3A_106] {strides = array<i32>} : memref<512xi32, #tpu.memory_space<vmem>>, vector<16xi32>,
      %min3A_108 = arith.minsi %min3A_105, %get3A_107 : vector<16xi32>
      %get3A_109 = arith.constant 96 : index
      %get3A_110 = tpu.vector_load %arg19[%get3A_109] {strides = array<i32>} : memref<512xi32, #tpu.memory_space<vmem>>, vector<16xi32>,
      %min3A_111 = arith.minsi %min3A_108, %get3A_110 : vector<16xi32>
      %get3A_112 = arith.constant 112 : index
      %get3A_113 = tpu.vector_load %arg19[%get3A_112] {strides = array<i32>} : memref<512xi32, #tpu.memory_space<vmem>>, vector<16xi32>,
      %min3A_114 = arith.minsi %min3A_111, %get3A_113 : vector<16xi32>
      %get3A_115 = arith.constant 128 : index
      %get3A_116 = tpu.vector_load %arg19[%get3A_115] {strides = array<i32>} : memref<512xi32, #tpu.memory_space<vmem>>, vector<16xi32>,
      %min3A_117 = arith.minsi %min3A_114, %get3A_116 : vector<16xi32>
      %get3A_118 = arith.constant 144 : index
      %get3A_119 = tpu.vector_load %arg19[%get3A_118] {strides = array<i32>} : memref<512xi32, #tpu.memory_space<vmem>>, vector<16xi32>,
      %min3A_120 = arith.minsi %min3A_117, %get3A_119 : vector<16xi32>
      %get3A_121 = arith.constant 160 : index
      %get3A_122 = tpu.vector_load %arg19[%get3A_121] {strides = array<i32>} : memref<512xi32, #tpu.memory_space<vmem>>, vector<16xi32>,
      %min3A_123 = arith.minsi %min3A_120, %get3A_122 : vector<16xi32>
      %get3A_124 = arith.constant 176 : index
      %get3A_125 = tpu.vector_load %arg19[%get3A_124] {strides = array<i32>} : memref<512xi32, #tpu.memory_space<vmem>>, vector<16xi32>,
      %min3A_126 = arith.minsi %min3A_123, %get3A_125 : vector<16xi32>
      %get3A_127 = arith.constant 192 : index
      %get3A_128 = tpu.vector_load %arg19[%get3A_127] {strides = array<i32>} : memref<512xi32, #tpu.memory_space<vmem>>, vector<16xi32>,
      %min3A_129 = arith.minsi %min3A_126, %get3A_128 : vector<16xi32>
      %get3A_130 = arith.constant 208 : index
      %get3A_131 = tpu.vector_load %arg19[%get3A_130] {strides = array<i32>} : memref<512xi32, #tpu.memory_space<vmem>>, vector<16xi32>,
      %min3A_132 = arith.minsi %min3A_129, %get3A_131 : vector<16xi32>
      %get3A_133 = arith.constant 224 : index
      %get3A_134 = tpu.vector_load %arg19[%get3A_133] {strides = array<i32>} : memref<512xi32, #tpu.memory_space<vmem>>, vector<16xi32>,
      %min3A_135 = arith.minsi %min3A_132, %get3A_134 : vector<16xi32>
      %get3A_136 = arith.constant 240 : index
      %get3A_137 = tpu.vector_load %arg19[%get3A_136] {strides = array<i32>} : memref<512xi32, #tpu.memory_space<vmem>>, vector<16xi32>,
      %min3A_138 = arith.minsi %min3A_135, %get3A_137 : vector<16xi32>
      %get3A_139 = arith.constant 256 : index
      %get3A_140 = tpu.vector_load %arg19[%get3A_139] {strides = array<i32>} : memref<512xi32, #tpu.memory_space<vmem>>, vector<16xi32>,
      %min3A_141 = arith.minsi %min3A_138, %get3A_140 : vector<16xi32>
      %get3A_142 = arith.constant 272 : index
      %get3A_143 = tpu.vector_load %arg19[%get3A_142] {strides = array<i32>} : memref<512xi32, #tpu.memory_space<vmem>>, vector<16xi32>,
      %min3A_144 = arith.minsi %min3A_141, %get3A_143 : vector<16xi32>
      %get3A_145 = arith.constant 288 : index
      %get3A_146 = tpu.vector_load %arg19[%get3A_145] {strides = array<i32>} : memref<512xi32, #tpu.memory_space<vmem>>, vector<16xi32>,
      %min3A_147 = arith.minsi %min3A_144, %get3A_146 : vector<16xi32>
      %get3A_148 = arith.constant 304 : index
      %get3A_149 = tpu.vector_load %arg19[%get3A_148] {strides = array<i32>} : memref<512xi32, #tpu.memory_space<vmem>>, vector<16xi32>,
      %min3A_150 = arith.minsi %min3A_147, %get3A_149 : vector<16xi32>
      %get3A_151 = arith.constant 320 : index
      %get3A_152 = tpu.vector_load %arg19[%get3A_151] {strides = array<i32>} : memref<512xi32, #tpu.memory_space<vmem>>, vector<16xi32>,
      %min3A_153 = arith.minsi %min3A_150, %get3A_152 : vector<16xi32>
      %get3A_154 = arith.constant 336 : index
      %get3A_155 = tpu.vector_load %arg19[%get3A_154] {strides = array<i32>} : memref<512xi32, #tpu.memory_space<vmem>>, vector<16xi32>,
      %min3A_156 = arith.minsi %min3A_153, %get3A_155 : vector<16xi32>
      %get3A_157 = arith.constant 352 : index
      %get3A_158 = tpu.vector_load %arg19[%get3A_157] {strides = array<i32>} : memref<512xi32, #tpu.memory_space<vmem>>, vector<16xi32>,
      %min3A_159 = arith.minsi %min3A_156, %get3A_158 : vector<16xi32>
      %get3A_160 = arith.constant 368 : index
      %get3A_161 = tpu.vector_load %arg19[%get3A_160] {strides = array<i32>} : memref<512xi32, #tpu.memory_space<vmem>>, vector<16xi32>,
      %min3A_162 = arith.minsi %min3A_159, %get3A_161 : vector<16xi32>
      %get3A_163 = arith.constant 384 : index
      %get3A_164 = tpu.vector_load %arg19[%get3A_163] {strides = array<i32>} : memref<512xi32, #tpu.memory_space<vmem>>, vector<16xi32>,
      %min3A_165 = arith.minsi %min3A_162, %get3A_164 : vector<16xi32>
      %get3A_166 = arith.constant 400 : index
      %get3A_167 = tpu.vector_load %arg19[%get3A_166] {strides = array<i32>} : memref<512xi32, #tpu.memory_space<vmem>>, vector<16xi32>,
      %min3A_168 = arith.minsi %min3A_165, %get3A_167 : vector<16xi32>
      %get3A_169 = arith.constant 416 : index
      %get3A_170 = tpu.vector_load %arg19[%get3A_169] {strides = array<i32>} : memref<512xi32, #tpu.memory_space<vmem>>, vector<16xi32>,
      %min3A_171 = arith.minsi %min3A_168, %get3A_170 : vector<16xi32>
      %get3A_172 = arith.constant 432 : index
      %get3A_173 = tpu.vector_load %arg19[%get3A_172] {strides = array<i32>} : memref<512xi32, #tpu.memory_space<vmem>>, vector<16xi32>,
      %min3A_174 = arith.minsi %min3A_171, %get3A_173 : vector<16xi32>
      %get3A_175 = arith.constant 448 : index
      %get3A_176 = tpu.vector_load %arg19[%get3A_175] {strides = array<i32>} : memref<512xi32, #tpu.memory_space<vmem>>, vector<16xi32>,
      %min3A_177 = arith.minsi %min3A_174, %get3A_176 : vector<16xi32>
      %get3A_178 = arith.constant 464 : index
      %get3A_179 = tpu.vector_load %arg19[%get3A_178] {strides = array<i32>} : memref<512xi32, #tpu.memory_space<vmem>>, vector<16xi32>,
      %min3A_180 = arith.minsi %min3A_177, %get3A_179 : vector<16xi32>
      %get3A_181 = arith.constant 480 : index
      %get3A_182 = tpu.vector_load %arg19[%get3A_181] {strides = array<i32>} : memref<512xi32, #tpu.memory_space<vmem>>, vector<16xi32>,
      %min3A_183 = arith.minsi %min3A_180, %get3A_182 : vector<16xi32>
      %get3A_184 = arith.constant 496 : index
      %get3A_185 = tpu.vector_load %arg19[%get3A_184] {strides = array<i32>} : memref<512xi32, #tpu.memory_space<vmem>>, vector<16xi32>,
      %min3A_186 = arith.minsi %min3A_183, %get3A_185 : vector<16xi32>
      %reduce_min3A = arith.constant true
      %reduce_min3A_187 = vector.broadcast %reduce_min3A : i1 to vector<16xi1>
      %reduce_min3A_188 = arith.constant -2147483648 : i32
      %reduce_min3A_189 = vector.broadcast %reduce_min3A_188 : i32 to vector<16xi32>
      %reduce_min3A_190 = arith.xori %min3A_186, %reduce_min3A_189 : vector<16xi32>
      %reduce_min3A_191 = tpu.scan <min>, %reduce_min3A_190 masked %reduce_min3A_187 : vector<16xi32>, vector<16xi1> -> vector<16xi32>
      %reduce_min3A_192 = arith.xori %reduce_min3A_191, %reduce_min3A_189 : vector<16xi32>
      %reduce_min3A_193 = vector.extract %reduce_min3A_192[15] : i32 from vector<16xi32>
      scf.yield %reduce_min3A_193 : i32
    }
    "tpu.region"() ({
      %run_scoped3A = tpu.sem_alloc : memref<!tpu.dma_semaphore, #tpu.memory_space<semaphore_mem>>
      %dma_start3A_93 = arith.constant 0 : i32
      %dma_start3A_94 = tpu.memref_slice %arg15[%dma_start3A_93] : memref<6400xf32, #tpu.memory_space<vmem>> -> memref<3200xf32, #tpu.memory_space<vmem>>
      %dma_start3A_95 = tpu.memref_slice %arg7[%mul3A_4] : memref<204800xf32, #tpu.memory_space<hbm>> -> memref<3200xf32, #tpu.memory_space<hbm>>
      %dma_start3A_96 = arith.constant 0 : i32
      %dma_start3A_97 = tpu.memref_slice %arg15[%dma_start3A_96] : memref<6400xf32, #tpu.memory_space<vmem>> -> memref<3200xf32, #tpu.memory_space<vmem>>
      %dma_start3A_98 = tpu.memref_slice %arg7[%mul3A_4] : memref<204800xf32, #tpu.memory_space<hbm>> -> memref<3200xf32, #tpu.memory_space<hbm>>
      tpu.enqueue_dma source(%dma_start3A_98 : memref<3200xf32, #tpu.memory_space<hbm>>) target(%dma_start3A_97 : memref<3200xf32, #tpu.memory_space<vmem>>) target_semaphore(%run_scoped3A : memref<!tpu.dma_semaphore, #tpu.memory_space<semaphore_mem>>)
      %dma_wait3A_99 = arith.constant 0 : i32
      %dma_wait3A_100 = tpu.memref_slice %arg15[%dma_wait3A_99] : memref<6400xf32, #tpu.memory_space<vmem>> -> memref<3200xf32, #tpu.memory_space<vmem>>
      %dma_wait3A_101 = tpu.memref_slice %arg7[%mul3A_4] : memref<204800xf32, #tpu.memory_space<hbm>> -> memref<3200xf32, #tpu.memory_space<hbm>>
      %dma_wait3A_102 = arith.constant 0 : i32
      %dma_wait3A_103 = tpu.memref_slice %arg15[%dma_wait3A_102] : memref<6400xf32, #tpu.memory_space<vmem>> -> memref<3200xf32, #tpu.memory_space<vmem>>
      %dma_wait3A_104 = tpu.memref_slice %arg7[%mul3A_4] : memref<204800xf32, #tpu.memory_space<hbm>> -> memref<3200xf32, #tpu.memory_space<hbm>>
      tpu.wait_dma2 semaphore(%run_scoped3A : memref<!tpu.dma_semaphore, #tpu.memory_space<semaphore_mem>>) src(%dma_wait3A_104 : memref<3200xf32, #tpu.memory_space<hbm>>) dst(%dma_wait3A_103 : memref<3200xf32, #tpu.memory_space<vmem>>)
      tpu.yield
    }) : () -> ()
    %add3A_54 = arith.constant 102400 : i32
    %add3A_55 = arith.addi %add3A_54, %mul3A_4 : i32
    "tpu.region"() ({
      %run_scoped3A = tpu.sem_alloc : memref<!tpu.dma_semaphore, #tpu.memory_space<semaphore_mem>>
      %dma_start3A_93 = tpu.memref_slice %arg7[%add3A_55] : memref<204800xf32, #tpu.memory_space<hbm>> -> memref<3200xf32, #tpu.memory_space<hbm>>
      %dma_start3A_94 = tpu.memref_slice %arg7[%add3A_55] : memref<204800xf32, #tpu.memory_space<hbm>> -> memref<3200xf32, #tpu.memory_space<hbm>>
      tpu.enqueue_dma source(%dma_start3A_94 : memref<3200xf32, #tpu.memory_space<hbm>>) target(%arg16 : memref<3200xf32, #tpu.memory_space<vmem>>) target_semaphore(%run_scoped3A : memref<!tpu.dma_semaphore, #tpu.memory_space<semaphore_mem>>)
      %dma_wait3A_95 = tpu.memref_slice %arg7[%add3A_55] : memref<204800xf32, #tpu.memory_space<hbm>> -> memref<3200xf32, #tpu.memory_space<hbm>>
      %dma_wait3A_96 = tpu.memref_slice %arg7[%add3A_55] : memref<204800xf32, #tpu.memory_space<hbm>> -> memref<3200xf32, #tpu.memory_space<hbm>>
      tpu.wait_dma2 semaphore(%run_scoped3A : memref<!tpu.dma_semaphore, #tpu.memory_space<semaphore_mem>>) src(%dma_wait3A_96 : memref<3200xf32, #tpu.memory_space<hbm>>) dst(%arg16 : memref<3200xf32, #tpu.memory_space<vmem>>)
      tpu.yield
    }) : () -> ()
    %scan3A_56 = arith.constant 9.99999974E-6 : f32
    %scan3A_57 = arith.constant 0 : i32
    %scan3A_58 = arith.constant 0 : i32
    %scan3A_59 = arith.constant 200 : i32
    %scan3A_60 = arith.addi %scan3A_58, %scan3A_59 : i32
    %scan3A_61 = arith.constant 1 : i32
    %scan3A_62 = scf.for %scan3A_93 = %scan3A_58 to %scan3A_60 step %scan3A_61 iter_args(%scan3A_94 = %scan3A_57) -> (i32)  : i32 {
      %mul3A_95 = arith.constant 16 : i32
      %mul3A_96 = arith.muli %scan3A_93, %mul3A_95 : i32
      %get3A = arith.index_cast %mul3A_96 : i32 to index
      %get3A_97 = tpu.vector_load %arg15[%get3A] {strides = array<i32>} : memref<6400xf32, #tpu.memory_space<vmem>>, vector<16xf32>,
      %mul3A_98 = arith.constant 16 : i32
      %mul3A_99 = arith.muli %scan3A_93, %mul3A_98 : i32
      %get3A_100 = arith.index_cast %mul3A_99 : i32 to index
      %get3A_101 = tpu.vector_load %arg16[%get3A_100] {strides = array<i32>} : memref<3200xf32, #tpu.memory_space<vmem>>, vector<16xf32>,
      %add3A_102 = arith.addf %get3A_97, %get3A_101 : vector<16xf32>
      %add3A_103 = arith.constant 1.000000e+00 : f32
      %add3A_104 = vector.broadcast %add3A_103 : f32 to vector<16xf32>
      %add3A_105 = arith.addf %add3A_102, %add3A_104 : vector<16xf32>
      %bitcast_convert_type3A = tpu.bitcast %add3A_105 : vector<16xf32> -> vector<16xi32>
      %shift_right_arithmetic3A = arith.constant 1 : i32
      %shift_right_arithmetic3A_106 = vector.broadcast %shift_right_arithmetic3A : i32 to vector<16xi32>
      %shift_right_arithmetic3A_107 = arith.shrsi %bitcast_convert_type3A, %shift_right_arithmetic3A_106 : vector<16xi32>
      %sub3A = arith.constant 1597463007 : i32
      %sub3A_108 = vector.broadcast %sub3A : i32 to vector<16xi32>
      %sub3A_109 = arith.subi %sub3A_108, %shift_right_arithmetic3A_107 : vector<16xi32>
      %bitcast_convert_type3A_110 = tpu.bitcast %sub3A_109 : vector<16xi32> -> vector<16xf32>
      %mul3A_111 = arith.constant 5.000000e-01 : f32
      %mul3A_112 = vector.broadcast %mul3A_111 : f32 to vector<16xf32>
      %mul3A_113 = arith.mulf %mul3A_112, %add3A_105 : vector<16xf32>
      %mul3A_114 = arith.mulf %mul3A_113, %bitcast_convert_type3A_110 : vector<16xf32>
      %mul3A_115 = arith.mulf %mul3A_114, %bitcast_convert_type3A_110 : vector<16xf32>
      %sub3A_116 = arith.constant 1.500000e+00 : f32
      %sub3A_117 = vector.broadcast %sub3A_116 : f32 to vector<16xf32>
      %sub3A_118 = arith.subf %sub3A_117, %mul3A_115 : vector<16xf32>
      %mul3A_119 = arith.mulf %bitcast_convert_type3A_110, %sub3A_118 : vector<16xf32>
      %mul3A_120 = arith.constant 5.000000e-01 : f32
      %mul3A_121 = vector.broadcast %mul3A_120 : f32 to vector<16xf32>
      %mul3A_122 = arith.mulf %mul3A_121, %add3A_105 : vector<16xf32>
      %mul3A_123 = arith.mulf %mul3A_122, %mul3A_119 : vector<16xf32>
      %mul3A_124 = arith.mulf %mul3A_123, %mul3A_119 : vector<16xf32>
      %sub3A_125 = arith.constant 1.500000e+00 : f32
      %sub3A_126 = vector.broadcast %sub3A_125 : f32 to vector<16xf32>
      %sub3A_127 = arith.subf %sub3A_126, %mul3A_124 : vector<16xf32>
      %mul3A_128 = arith.mulf %mul3A_119, %sub3A_127 : vector<16xf32>
      %mul3A_129 = arith.constant 5.000000e-01 : f32
      %mul3A_130 = vector.broadcast %mul3A_129 : f32 to vector<16xf32>
      %mul3A_131 = arith.mulf %mul3A_130, %add3A_105 : vector<16xf32>
      %mul3A_132 = arith.mulf %mul3A_131, %mul3A_128 : vector<16xf32>
      %mul3A_133 = arith.mulf %mul3A_132, %mul3A_128 : vector<16xf32>
      %sub3A_134 = arith.constant 1.500000e+00 : f32
      %sub3A_135 = vector.broadcast %sub3A_134 : f32 to vector<16xf32>
      %sub3A_136 = arith.subf %sub3A_135, %mul3A_133 : vector<16xf32>
      %mul3A_137 = arith.mulf %mul3A_128, %sub3A_136 : vector<16xf32>
      %mul3A_138 = arith.constant 16 : i32
      %mul3A_139 = arith.muli %scan3A_93, %mul3A_138 : i32
      %swap3A_140 = arith.index_cast %mul3A_139 : i32 to index
      %swap3A_141 = tpu.vector_load %arg17[%swap3A_140] {strides = array<i32>} : memref<3200xf32, #tpu.memory_space<vmem>>, vector<16xf32>,
      tpu.vector_store %arg17[%swap3A_140], %mul3A_137 {strides = array<i32>} : memref<3200xf32, #tpu.memory_space<vmem>>, vector<16xf32>,
      %add3A_142 = vector.broadcast %scan3A_56 : f32 to vector<16xf32>
      %add3A_143 = arith.addf %broadcast_in_dim3A_7, %add3A_142 : vector<16xf32>
      %mul3A_144 = arith.constant 16 : i32
      %mul3A_145 = arith.muli %scan3A_93, %mul3A_144 : i32
      %swap3A_146 = arith.index_cast %mul3A_145 : i32 to index
      %swap3A_147 = tpu.vector_load %arg15[%swap3A_146] {strides = array<i32>} : memref<6400xf32, #tpu.memory_space<vmem>>, vector<16xf32>,
      tpu.vector_store %arg15[%swap3A_146], %add3A_143 {strides = array<i32>} : memref<6400xf32, #tpu.memory_space<vmem>>, vector<16xf32>,
      %scan3A_148 = arith.constant 0 : i32
      scf.yield %scan3A_148 : i32
    }
    %scan3A_63 = arith.constant 200 : i32
    "tpu.region"() ({
      %run_scoped3A = tpu.sem_alloc : memref<!tpu.dma_semaphore, #tpu.memory_space<semaphore_mem>>
      %dma_start3A_93 = arith.constant 0 : i32
      %dma_start3A_94 = tpu.memref_slice %arg15[%dma_start3A_93] : memref<6400xf32, #tpu.memory_space<vmem>> -> memref<3200xf32, #tpu.memory_space<vmem>>
      %dma_start3A_95 = tpu.memref_slice %arg5[%mul3A_4] : memref<1638400xf32, #tpu.memory_space<hbm>> -> memref<3200xf32, #tpu.memory_space<hbm>>
      %dma_start3A_96 = tpu.memref_slice %arg5[%mul3A_4] : memref<1638400xf32, #tpu.memory_space<hbm>> -> memref<3200xf32, #tpu.memory_space<hbm>>
      %dma_start3A_97 = arith.constant 0 : i32
      %dma_start3A_98 = tpu.memref_slice %arg15[%dma_start3A_97] : memref<6400xf32, #tpu.memory_space<vmem>> -> memref<3200xf32, #tpu.memory_space<vmem>>
      tpu.enqueue_dma source(%dma_start3A_98 : memref<3200xf32, #tpu.memory_space<vmem>>) target(%dma_start3A_96 : memref<3200xf32, #tpu.memory_space<hbm>>) target_semaphore(%run_scoped3A : memref<!tpu.dma_semaphore, #tpu.memory_space<semaphore_mem>>)
      %dma_wait3A_99 = arith.constant 0 : i32
      %dma_wait3A_100 = tpu.memref_slice %arg15[%dma_wait3A_99] : memref<6400xf32, #tpu.memory_space<vmem>> -> memref<3200xf32, #tpu.memory_space<vmem>>
      %dma_wait3A_101 = tpu.memref_slice %arg5[%mul3A_4] : memref<1638400xf32, #tpu.memory_space<hbm>> -> memref<3200xf32, #tpu.memory_space<hbm>>
      %dma_wait3A_102 = tpu.memref_slice %arg5[%mul3A_4] : memref<1638400xf32, #tpu.memory_space<hbm>> -> memref<3200xf32, #tpu.memory_space<hbm>>
      %dma_wait3A_103 = arith.constant 0 : i32
      %dma_wait3A_104 = tpu.memref_slice %arg15[%dma_wait3A_103] : memref<6400xf32, #tpu.memory_space<vmem>> -> memref<3200xf32, #tpu.memory_space<vmem>>
      tpu.wait_dma2 semaphore(%run_scoped3A : memref<!tpu.dma_semaphore, #tpu.memory_space<semaphore_mem>>) src(%dma_wait3A_104 : memref<3200xf32, #tpu.memory_space<vmem>>) dst(%dma_wait3A_102 : memref<3200xf32, #tpu.memory_space<hbm>>)
      tpu.yield
    }) : () -> ()
    %scan3A_64 = arith.constant 9.99999974E-6 : f32
    %scan3A_65 = arith.constant 0 : i32
    %scan3A_66 = arith.constant 0 : i32
    %scan3A_67 = arith.constant 200 : i32
    %scan3A_68 = arith.addi %scan3A_66, %scan3A_67 : i32
    %scan3A_69 = arith.constant 1 : i32
    %scan3A_70 = scf.for %scan3A_93 = %scan3A_66 to %scan3A_68 step %scan3A_69 iter_args(%scan3A_94 = %scan3A_65) -> (i32)  : i32 {
      %mul3A_95 = arith.constant 16 : i32
      %mul3A_96 = arith.muli %scan3A_93, %mul3A_95 : i32
      %get3A = arith.index_cast %mul3A_96 : i32 to index
      %get3A_97 = tpu.vector_load %arg17[%get3A] {strides = array<i32>} : memref<3200xf32, #tpu.memory_space<vmem>>, vector<16xf32>,
      %mul3A_98 = vector.broadcast %scan3A_64 : f32 to vector<16xf32>
      %mul3A_99 = arith.mulf %get3A_97, %mul3A_98 : vector<16xf32>
      %mul3A_100 = arith.constant 16 : i32
      %mul3A_101 = arith.muli %scan3A_93, %mul3A_100 : i32
      %swap3A_102 = arith.index_cast %mul3A_101 : i32 to index
      %swap3A_103 = tpu.vector_load %arg15[%swap3A_102] {strides = array<i32>} : memref<6400xf32, #tpu.memory_space<vmem>>, vector<16xf32>,
      tpu.vector_store %arg15[%swap3A_102], %mul3A_99 {strides = array<i32>} : memref<6400xf32, #tpu.memory_space<vmem>>, vector<16xf32>,
      %scan3A_104 = arith.constant 0 : i32
      scf.yield %scan3A_104 : i32
    }
    %scan3A_71 = arith.constant 200 : i32
    "tpu.region"() ({
      %run_scoped3A = tpu.sem_alloc : memref<!tpu.dma_semaphore, #tpu.memory_space<semaphore_mem>>
      %dma_start3A_93 = arith.constant 0 : i32
      %dma_start3A_94 = tpu.memref_slice %arg15[%dma_start3A_93] : memref<6400xf32, #tpu.memory_space<vmem>> -> memref<3200xf32, #tpu.memory_space<vmem>>
      %dma_start3A_95 = tpu.memref_slice %arg6[%mul3A_4] : memref<102400xf32, #tpu.memory_space<hbm>> -> memref<3200xf32, #tpu.memory_space<hbm>>
      %dma_start3A_96 = tpu.memref_slice %arg6[%mul3A_4] : memref<102400xf32, #tpu.memory_space<hbm>> -> memref<3200xf32, #tpu.memory_space<hbm>>
      %dma_start3A_97 = arith.constant 0 : i32
      %dma_start3A_98 = tpu.memref_slice %arg15[%dma_start3A_97] : memref<6400xf32, #tpu.memory_space<vmem>> -> memref<3200xf32, #tpu.memory_space<vmem>>
      tpu.enqueue_dma source(%dma_start3A_98 : memref<3200xf32, #tpu.memory_space<vmem>>) target(%dma_start3A_96 : memref<3200xf32, #tpu.memory_space<hbm>>) target_semaphore(%run_scoped3A : memref<!tpu.dma_semaphore, #tpu.memory_space<semaphore_mem>>)
      %dma_wait3A_99 = arith.constant 0 : i32
      %dma_wait3A_100 = tpu.memref_slice %arg15[%dma_wait3A_99] : memref<6400xf32, #tpu.memory_space<vmem>> -> memref<3200xf32, #tpu.memory_space<vmem>>
      %dma_wait3A_101 = tpu.memref_slice %arg6[%mul3A_4] : memref<102400xf32, #tpu.memory_space<hbm>> -> memref<3200xf32, #tpu.memory_space<hbm>>
      %dma_wait3A_102 = tpu.memref_slice %arg6[%mul3A_4] : memref<102400xf32, #tpu.memory_space<hbm>> -> memref<3200xf32, #tpu.memory_space<hbm>>
      %dma_wait3A_103 = arith.constant 0 : i32
      %dma_wait3A_104 = tpu.memref_slice %arg15[%dma_wait3A_103] : memref<6400xf32, #tpu.memory_space<vmem>> -> memref<3200xf32, #tpu.memory_space<vmem>>
      tpu.wait_dma2 semaphore(%run_scoped3A : memref<!tpu.dma_semaphore, #tpu.memory_space<semaphore_mem>>) src(%dma_wait3A_104 : memref<3200xf32, #tpu.memory_space<vmem>>) dst(%dma_wait3A_102 : memref<3200xf32, #tpu.memory_space<hbm>>)
      tpu.yield
    }) : () -> ()
    %parallel_loop3A_72 = arith.constant 0 : i32
    %parallel_loop3A_73 = arith.constant 400 : i32
    %parallel_loop3A_74 = arith.constant 1 : i32
    scf.for %parallel_loop3A_93 = %parallel_loop3A_72 to %parallel_loop3A_73 step %parallel_loop3A_74  : i32 {
      %parallel_loop3A_94 = arith.constant 16 : i32
      %parallel_loop3A_95 = arith.muli %parallel_loop3A_93, %parallel_loop3A_94 : i32
      %parallel_loop3A_96 = arith.index_cast %parallel_loop3A_95 : i32 to index
      %parallel_loop3A_97 = tpu.vector_load %arg15[%parallel_loop3A_96] {strides = array<i32>} : memref<6400xf32, #tpu.memory_space<vmem>>, vector<16xf32>,
      tpu.vector_store %arg15[%parallel_loop3A_96], %broadcast_in_dim3A_7 {strides = array<i32>} : memref<6400xf32, #tpu.memory_space<vmem>>, vector<16xf32>,
    } {sc.loop_unroll_factor = 4 : i64, sc.parallel_access}
    "tpu.region"() ({
      %run_scoped3A = tpu.sem_alloc : memref<!tpu.dma_semaphore, #tpu.memory_space<semaphore_mem>>
      %dma_start3A_93 = tpu.memref_slice %arg20[%mul3A_2] : memref<102400xf32, #tpu.memory_space<vmem_shared>> -> memref<6400xf32, #tpu.memory_space<vmem_shared>>
      %dma_start3A_94 = tpu.memref_slice %arg20[%mul3A_2] : memref<102400xf32, #tpu.memory_space<vmem_shared>> -> memref<6400xf32, #tpu.memory_space<vmem_shared>>
      tpu.enqueue_dma source(%arg15 : memref<6400xf32, #tpu.memory_space<vmem>>) target(%dma_start3A_94 : memref<6400xf32, #tpu.memory_space<vmem_shared>>) target_semaphore(%run_scoped3A : memref<!tpu.dma_semaphore, #tpu.memory_space<semaphore_mem>>)
      %dma_wait3A_95 = tpu.memref_slice %arg20[%mul3A_2] : memref<102400xf32, #tpu.memory_space<vmem_shared>> -> memref<6400xf32, #tpu.memory_space<vmem_shared>>
      %dma_wait3A_96 = tpu.memref_slice %arg20[%mul3A_2] : memref<102400xf32, #tpu.memory_space<vmem_shared>> -> memref<6400xf32, #tpu.memory_space<vmem_shared>>
      tpu.wait_dma2 semaphore(%run_scoped3A : memref<!tpu.dma_semaphore, #tpu.memory_space<semaphore_mem>>) src(%arg15 : memref<6400xf32, #tpu.memory_space<vmem>>) dst(%dma_wait3A_96 : memref<6400xf32, #tpu.memory_space<vmem_shared>>)
      tpu.yield
    }) : () -> ()
    %broadcast_in_dim3A_75 = arith.constant 0 : i32
    %broadcast_in_dim3A_76 = vector.broadcast %broadcast_in_dim3A_75 : i32 to vector<16xi32>
    %add3A_77 = arith.constant 2 : i32
    %add3A_78 = vector.broadcast %add3A_77 : i32 to vector<16xi32>
    %add3A_79 = arith.addi %broadcast_in_dim3A_76, %add3A_78 : vector<16xi32>
    %swap3A_80 = arith.constant 0 : index
    %swap3A_81 = tpu.vector_load %arg18[%swap3A_80] {strides = array<i32>} : memref<16xi32, #tpu.memory_space<vmem>>, vector<16xi32>,
    tpu.vector_store %arg18[%swap3A_80], %add3A_79 {strides = array<i32>} : memref<16xi32, #tpu.memory_space<vmem>>, vector<16xi32>,
    %mul3A_82 = arith.constant 16 : i32
    %mul3A_83 = arith.muli %add3A, %mul3A_82 : i32
    "tpu.region"() ({
      %run_scoped3A = tpu.sem_alloc : memref<!tpu.dma_semaphore, #tpu.memory_space<semaphore_mem>>
      %dma_start3A_93 = tpu.memref_slice %arg4[%mul3A_83] : memref<512xi32, #tpu.memory_space<hbm>> -> memref<16xi32, #tpu.memory_space<hbm>>
      %dma_start3A_94 = tpu.memref_slice %arg4[%mul3A_83] : memref<512xi32, #tpu.memory_space<hbm>> -> memref<16xi32, #tpu.memory_space<hbm>>
      tpu.enqueue_dma source(%arg18 : memref<16xi32, #tpu.memory_space<vmem>>) target(%dma_start3A_94 : memref<16xi32, #tpu.memory_space<hbm>>) target_semaphore(%run_scoped3A : memref<!tpu.dma_semaphore, #tpu.memory_space<semaphore_mem>>)
      %dma_wait3A_95 = tpu.memref_slice %arg4[%mul3A_83] : memref<512xi32, #tpu.memory_space<hbm>> -> memref<16xi32, #tpu.memory_space<hbm>>
      %dma_wait3A_96 = tpu.memref_slice %arg4[%mul3A_83] : memref<512xi32, #tpu.memory_space<hbm>> -> memref<16xi32, #tpu.memory_space<hbm>>
      tpu.wait_dma2 semaphore(%run_scoped3A : memref<!tpu.dma_semaphore, #tpu.memory_space<semaphore_mem>>) src(%arg18 : memref<16xi32, #tpu.memory_space<vmem>>) dst(%dma_wait3A_96 : memref<16xi32, #tpu.memory_space<hbm>>)
      tpu.yield
    }) : () -> ()
    %while3A_84 = arith.constant 0 : i32
    %while3A_85 = scf.while (%while3A_93 = %while3A_84) : (i32) -> i32 {
      %lt3A = arith.constant 2 : i32
      %lt3A_94 = arith.cmpi slt, %while3A_93, %lt3A : i32
      scf.condition(%lt3A_94) %while3A_93 : i32
    } do {
    ^bb0(%while3A_93: i32):
      "tpu.region"() ({
        %run_scoped3A = tpu.sem_alloc : memref<!tpu.dma_semaphore, #tpu.memory_space<semaphore_mem>>
        tpu.enqueue_dma source(%arg4 : memref<512xi32, #tpu.memory_space<hbm>>) target(%arg19 : memref<512xi32, #tpu.memory_space<vmem>>) target_semaphore(%run_scoped3A : memref<!tpu.dma_semaphore, #tpu.memory_space<semaphore_mem>>)
        tpu.wait_dma2 semaphore(%run_scoped3A : memref<!tpu.dma_semaphore, #tpu.memory_space<semaphore_mem>>) src(%arg4 : memref<512xi32, #tpu.memory_space<hbm>>) dst(%arg19 : memref<512xi32, #tpu.memory_space<vmem>>)
        tpu.yield
      }) : () -> ()
      %get3A = arith.constant 0 : index
      %get3A_94 = tpu.vector_load %arg19[%get3A] {strides = array<i32>} : memref<512xi32, #tpu.memory_space<vmem>>, vector<16xi32>,
      %get3A_95 = arith.constant 16 : index
      %get3A_96 = tpu.vector_load %arg19[%get3A_95] {strides = array<i32>} : memref<512xi32, #tpu.memory_space<vmem>>, vector<16xi32>,
      %min3A = arith.minsi %get3A_94, %get3A_96 : vector<16xi32>
      %get3A_97 = arith.constant 32 : index
      %get3A_98 = tpu.vector_load %arg19[%get3A_97] {strides = array<i32>} : memref<512xi32, #tpu.memory_space<vmem>>, vector<16xi32>,
      %min3A_99 = arith.minsi %min3A, %get3A_98 : vector<16xi32>
      %get3A_100 = arith.constant 48 : index
      %get3A_101 = tpu.vector_load %arg19[%get3A_100] {strides = array<i32>} : memref<512xi32, #tpu.memory_space<vmem>>, vector<16xi32>,
      %min3A_102 = arith.minsi %min3A_99, %get3A_101 : vector<16xi32>
      %get3A_103 = arith.constant 64 : index
      %get3A_104 = tpu.vector_load %arg19[%get3A_103] {strides = array<i32>} : memref<512xi32, #tpu.memory_space<vmem>>, vector<16xi32>,
      %min3A_105 = arith.minsi %min3A_102, %get3A_104 : vector<16xi32>
      %get3A_106 = arith.constant 80 : index
      %get3A_107 = tpu.vector_load %arg19[%get3A_106] {strides = array<i32>} : memref<512xi32, #tpu.memory_space<vmem>>, vector<16xi32>,
      %min3A_108 = arith.minsi %min3A_105, %get3A_107 : vector<16xi32>
      %get3A_109 = arith.constant 96 : index
      %get3A_110 = tpu.vector_load %arg19[%get3A_109] {strides = array<i32>} : memref<512xi32, #tpu.memory_space<vmem>>, vector<16xi32>,
      %min3A_111 = arith.minsi %min3A_108, %get3A_110 : vector<16xi32>
      %get3A_112 = arith.constant 112 : index
      %get3A_113 = tpu.vector_load %arg19[%get3A_112] {strides = array<i32>} : memref<512xi32, #tpu.memory_space<vmem>>, vector<16xi32>,
      %min3A_114 = arith.minsi %min3A_111, %get3A_113 : vector<16xi32>
      %get3A_115 = arith.constant 128 : index
      %get3A_116 = tpu.vector_load %arg19[%get3A_115] {strides = array<i32>} : memref<512xi32, #tpu.memory_space<vmem>>, vector<16xi32>,
      %min3A_117 = arith.minsi %min3A_114, %get3A_116 : vector<16xi32>
      %get3A_118 = arith.constant 144 : index
      %get3A_119 = tpu.vector_load %arg19[%get3A_118] {strides = array<i32>} : memref<512xi32, #tpu.memory_space<vmem>>, vector<16xi32>,
      %min3A_120 = arith.minsi %min3A_117, %get3A_119 : vector<16xi32>
      %get3A_121 = arith.constant 160 : index
      %get3A_122 = tpu.vector_load %arg19[%get3A_121] {strides = array<i32>} : memref<512xi32, #tpu.memory_space<vmem>>, vector<16xi32>,
      %min3A_123 = arith.minsi %min3A_120, %get3A_122 : vector<16xi32>
      %get3A_124 = arith.constant 176 : index
      %get3A_125 = tpu.vector_load %arg19[%get3A_124] {strides = array<i32>} : memref<512xi32, #tpu.memory_space<vmem>>, vector<16xi32>,
      %min3A_126 = arith.minsi %min3A_123, %get3A_125 : vector<16xi32>
      %get3A_127 = arith.constant 192 : index
      %get3A_128 = tpu.vector_load %arg19[%get3A_127] {strides = array<i32>} : memref<512xi32, #tpu.memory_space<vmem>>, vector<16xi32>,
      %min3A_129 = arith.minsi %min3A_126, %get3A_128 : vector<16xi32>
      %get3A_130 = arith.constant 208 : index
      %get3A_131 = tpu.vector_load %arg19[%get3A_130] {strides = array<i32>} : memref<512xi32, #tpu.memory_space<vmem>>, vector<16xi32>,
      %min3A_132 = arith.minsi %min3A_129, %get3A_131 : vector<16xi32>
      %get3A_133 = arith.constant 224 : index
      %get3A_134 = tpu.vector_load %arg19[%get3A_133] {strides = array<i32>} : memref<512xi32, #tpu.memory_space<vmem>>, vector<16xi32>,
      %min3A_135 = arith.minsi %min3A_132, %get3A_134 : vector<16xi32>
      %get3A_136 = arith.constant 240 : index
      %get3A_137 = tpu.vector_load %arg19[%get3A_136] {strides = array<i32>} : memref<512xi32, #tpu.memory_space<vmem>>, vector<16xi32>,
      %min3A_138 = arith.minsi %min3A_135, %get3A_137 : vector<16xi32>
      %get3A_139 = arith.constant 256 : index
      %get3A_140 = tpu.vector_load %arg19[%get3A_139] {strides = array<i32>} : memref<512xi32, #tpu.memory_space<vmem>>, vector<16xi32>,
      %min3A_141 = arith.minsi %min3A_138, %get3A_140 : vector<16xi32>
      %get3A_142 = arith.constant 272 : index
      %get3A_143 = tpu.vector_load %arg19[%get3A_142] {strides = array<i32>} : memref<512xi32, #tpu.memory_space<vmem>>, vector<16xi32>,
      %min3A_144 = arith.minsi %min3A_141, %get3A_143 : vector<16xi32>
      %get3A_145 = arith.constant 288 : index
      %get3A_146 = tpu.vector_load %arg19[%get3A_145] {strides = array<i32>} : memref<512xi32, #tpu.memory_space<vmem>>, vector<16xi32>,
      %min3A_147 = arith.minsi %min3A_144, %get3A_146 : vector<16xi32>
      %get3A_148 = arith.constant 304 : index
      %get3A_149 = tpu.vector_load %arg19[%get3A_148] {strides = array<i32>} : memref<512xi32, #tpu.memory_space<vmem>>, vector<16xi32>,
      %min3A_150 = arith.minsi %min3A_147, %get3A_149 : vector<16xi32>
      %get3A_151 = arith.constant 320 : index
      %get3A_152 = tpu.vector_load %arg19[%get3A_151] {strides = array<i32>} : memref<512xi32, #tpu.memory_space<vmem>>, vector<16xi32>,
      %min3A_153 = arith.minsi %min3A_150, %get3A_152 : vector<16xi32>
      %get3A_154 = arith.constant 336 : index
      %get3A_155 = tpu.vector_load %arg19[%get3A_154] {strides = array<i32>} : memref<512xi32, #tpu.memory_space<vmem>>, vector<16xi32>,
      %min3A_156 = arith.minsi %min3A_153, %get3A_155 : vector<16xi32>
      %get3A_157 = arith.constant 352 : index
      %get3A_158 = tpu.vector_load %arg19[%get3A_157] {strides = array<i32>} : memref<512xi32, #tpu.memory_space<vmem>>, vector<16xi32>,
      %min3A_159 = arith.minsi %min3A_156, %get3A_158 : vector<16xi32>
      %get3A_160 = arith.constant 368 : index
      %get3A_161 = tpu.vector_load %arg19[%get3A_160] {strides = array<i32>} : memref<512xi32, #tpu.memory_space<vmem>>, vector<16xi32>,
      %min3A_162 = arith.minsi %min3A_159, %get3A_161 : vector<16xi32>
      %get3A_163 = arith.constant 384 : index
      %get3A_164 = tpu.vector_load %arg19[%get3A_163] {strides = array<i32>} : memref<512xi32, #tpu.memory_space<vmem>>, vector<16xi32>,
      %min3A_165 = arith.minsi %min3A_162, %get3A_164 : vector<16xi32>
      %get3A_166 = arith.constant 400 : index
      %get3A_167 = tpu.vector_load %arg19[%get3A_166] {strides = array<i32>} : memref<512xi32, #tpu.memory_space<vmem>>, vector<16xi32>,
      %min3A_168 = arith.minsi %min3A_165, %get3A_167 : vector<16xi32>
      %get3A_169 = arith.constant 416 : index
      %get3A_170 = tpu.vector_load %arg19[%get3A_169] {strides = array<i32>} : memref<512xi32, #tpu.memory_space<vmem>>, vector<16xi32>,
      %min3A_171 = arith.minsi %min3A_168, %get3A_170 : vector<16xi32>
      %get3A_172 = arith.constant 432 : index
      %get3A_173 = tpu.vector_load %arg19[%get3A_172] {strides = array<i32>} : memref<512xi32, #tpu.memory_space<vmem>>, vector<16xi32>,
      %min3A_174 = arith.minsi %min3A_171, %get3A_173 : vector<16xi32>
      %get3A_175 = arith.constant 448 : index
      %get3A_176 = tpu.vector_load %arg19[%get3A_175] {strides = array<i32>} : memref<512xi32, #tpu.memory_space<vmem>>, vector<16xi32>,
      %min3A_177 = arith.minsi %min3A_174, %get3A_176 : vector<16xi32>
      %get3A_178 = arith.constant 464 : index
      %get3A_179 = tpu.vector_load %arg19[%get3A_178] {strides = array<i32>} : memref<512xi32, #tpu.memory_space<vmem>>, vector<16xi32>,
      %min3A_180 = arith.minsi %min3A_177, %get3A_179 : vector<16xi32>
      %get3A_181 = arith.constant 480 : index
      %get3A_182 = tpu.vector_load %arg19[%get3A_181] {strides = array<i32>} : memref<512xi32, #tpu.memory_space<vmem>>, vector<16xi32>,
      %min3A_183 = arith.minsi %min3A_180, %get3A_182 : vector<16xi32>
      %get3A_184 = arith.constant 496 : index
      %get3A_185 = tpu.vector_load %arg19[%get3A_184] {strides = array<i32>} : memref<512xi32, #tpu.memory_space<vmem>>, vector<16xi32>,
      %min3A_186 = arith.minsi %min3A_183, %get3A_185 : vector<16xi32>
      %reduce_min3A = arith.constant true
      %reduce_min3A_187 = vector.broadcast %reduce_min3A : i1 to vector<16xi1>
      %reduce_min3A_188 = arith.constant -2147483648 : i32
      %reduce_min3A_189 = vector.broadcast %reduce_min3A_188 : i32 to vector<16xi32>
      %reduce_min3A_190 = arith.xori %min3A_186, %reduce_min3A_189 : vector<16xi32>
      %reduce_min3A_191 = tpu.scan <min>, %reduce_min3A_190 masked %reduce_min3A_187 : vector<16xi32>, vector<16xi1> -> vector<16xi32>
      %reduce_min3A_192 = arith.xori %reduce_min3A_191, %reduce_min3A_189 : vector<16xi32>
      %reduce_min3A_193 = vector.extract %reduce_min3A_192[15] : i32 from vector<16xi32>
      scf.yield %reduce_min3A_193 : i32
    }
    "tpu.region"() ({
      %run_scoped3A = tpu.sem_alloc : memref<!tpu.dma_semaphore, #tpu.memory_space<semaphore_mem>>
      tpu.enqueue_dma source(%arg6 : memref<102400xf32, #tpu.memory_space<hbm>>) target(%arg8 : memref<102400xf32, #tpu.memory_space<vmem>>) target_semaphore(%run_scoped3A : memref<!tpu.dma_semaphore, #tpu.memory_space<semaphore_mem>>)
      tpu.wait_dma2 semaphore(%run_scoped3A : memref<!tpu.dma_semaphore, #tpu.memory_space<semaphore_mem>>) src(%arg6 : memref<102400xf32, #tpu.memory_space<hbm>>) dst(%arg8 : memref<102400xf32, #tpu.memory_space<vmem>>)
      tpu.yield
    }) : () -> ()
    %scan3A_86 = arith.constant 0 : i32
    %scan3A_87 = arith.constant 0 : i32
    %scan3A_88 = arith.constant 15 : i32
    %scan3A_89 = arith.addi %scan3A_87, %scan3A_88 : i32
    %scan3A_90 = arith.constant 1 : i32
    %scan3A_91 = scf.for %scan3A_93 = %scan3A_87 to %scan3A_89 step %scan3A_90 iter_args(%scan3A_94 = %scan3A_86) -> (i32)  : i32 {
      %scan3A_95 = arith.constant 0 : i32
      %scan3A_96 = arith.constant 0 : i32
      %scan3A_97 = arith.constant 64 : i32
      %scan3A_98 = arith.addi %scan3A_96, %scan3A_97 : i32
      %scan3A_99 = arith.constant 1 : i32
      %scan3A_100 = scf.for %scan3A_183 = %scan3A_96 to %scan3A_98 step %scan3A_99 iter_args(%scan3A_184 = %scan3A_95) -> (i32)  : i32 {
        %broadcast_in_dim3A_185 = arith.constant 102399 : i32
        %broadcast_in_dim3A_186 = vector.broadcast %broadcast_in_dim3A_185 : i32 to vector<16xi32>
        %mul3A_187 = arith.constant 16 : i32
        %mul3A_188 = arith.muli %scan3A_183, %mul3A_187 : i32
        %swap3A_189 = arith.index_cast %mul3A_188 : i32 to index
        %swap3A_190 = tpu.vector_load %arg13[%swap3A_189] {strides = array<i32>} : memref<1024xi32, #tpu.memory_space<vmem>>, vector<16xi32>,
        tpu.vector_store %arg13[%swap3A_189], %broadcast_in_dim3A_186 {strides = array<i32>} : memref<1024xi32, #tpu.memory_space<vmem>>, vector<16xi32>,
        %scan3A_191 = arith.constant 0 : i32
        scf.yield %scan3A_191 : i32
      }
      %scan3A_101 = arith.constant 64 : i32
      %dma_start3A_102 = arith.constant 0 : i32
      %dma_start3A_103 = tpu.memref_slice %arg20[%dma_start3A_102] : memref<102400xf32, #tpu.memory_space<vmem_shared>> -> memref<102400xf32, #tpu.memory_space<vmem_shared>>
      tpu.enqueue_indirect_dma source(%arg14 : memref<1024xf32, #tpu.memory_space<vmem>>) target(%dma_start3A_103 : memref<102400xf32, #tpu.memory_space<vmem_shared>>) offsets(%arg13 : memref<1024xi32, #tpu.memory_space<vmem>>) semaphore(%arg24 : memref<!tpu.dma_semaphore, #tpu.memory_space<semaphore_mem>>) {add = true}
      %add3A_104 = arith.constant 0 : i32
      %add3A_105 = arith.addi %mul3A_6, %add3A_104 : i32
      %multiple_of3A_106 = tpu.assume_multiple %add3A_105, 8 : i32
      %dma_start3A_107 = tpu.memref_slice %arg2[%multiple_of3A_106] : memref<3213312xi32, #tpu.memory_space<hbm>> -> memref<1024xi32, #tpu.memory_space<hbm>>
      %dma_start3A_108 = tpu.memref_slice %arg2[%multiple_of3A_106] : memref<3213312xi32, #tpu.memory_space<hbm>> -> memref<1024xi32, #tpu.memory_space<hbm>>
      tpu.enqueue_dma source(%dma_start3A_108 : memref<1024xi32, #tpu.memory_space<hbm>>) target(%arg9 : memref<1024xi32, #tpu.memory_space<vmem>>) target_semaphore(%arg21 : memref<!tpu.dma_semaphore, #tpu.memory_space<semaphore_mem>>)
      %add3A_109 = arith.constant 0 : i32
      %add3A_110 = arith.addi %mul3A_6, %add3A_109 : i32
      %multiple_of3A_111 = tpu.assume_multiple %add3A_110, 8 : i32
      %dma_start3A_112 = tpu.memref_slice %arg3[%multiple_of3A_111] : memref<3213312xi32, #tpu.memory_space<hbm>> -> memref<1024xi32, #tpu.memory_space<hbm>>
      %dma_start3A_113 = tpu.memref_slice %arg3[%multiple_of3A_111] : memref<3213312xi32, #tpu.memory_space<hbm>> -> memref<1024xi32, #tpu.memory_space<hbm>>
      tpu.enqueue_dma source(%dma_start3A_113 : memref<1024xi32, #tpu.memory_space<hbm>>) target(%arg10 : memref<1024xi32, #tpu.memory_space<vmem>>) target_semaphore(%arg21 : memref<!tpu.dma_semaphore, #tpu.memory_space<semaphore_mem>>)
      %scan3A_114 = arith.constant 0 : i32
      %scan3A_115 = arith.constant 0 : i32
      %scan3A_116 = arith.constant 49 : i32
      %scan3A_117 = arith.addi %scan3A_115, %scan3A_116 : i32
      %scan3A_118 = arith.constant 1 : i32
      %scan3A_119 = scf.for %scan3A_183 = %scan3A_115 to %scan3A_117 step %scan3A_118 iter_args(%scan3A_184 = %scan3A_114) -> (i32)  : i32 {
        %mul3A_185 = arith.constant 2 : i32
        %mul3A_186 = arith.muli %mul3A_185, %scan3A_183 : i32
        %mul3A_187 = arith.constant 1024 : i32
        %mul3A_188 = arith.muli %mul3A_186, %mul3A_187 : i32
        %add3A_189 = arith.addi %mul3A_6, %mul3A_188 : i32
        %multiple_of3A_190 = tpu.assume_multiple %add3A_189, 8 : i32
        %dma_wait3A_191 = tpu.memref_slice %arg2[%multiple_of3A_190] : memref<3213312xi32, #tpu.memory_space<hbm>> -> memref<1024xi32, #tpu.memory_space<hbm>>
        %dma_wait3A_192 = tpu.memref_slice %arg2[%multiple_of3A_190] : memref<3213312xi32, #tpu.memory_space<hbm>> -> memref<1024xi32, #tpu.memory_space<hbm>>
        tpu.wait_dma2 semaphore(%arg21 : memref<!tpu.dma_semaphore, #tpu.memory_space<semaphore_mem>>) src(%dma_wait3A_192 : memref<1024xi32, #tpu.memory_space<hbm>>) dst(%arg9 : memref<1024xi32, #tpu.memory_space<vmem>>)
        %mul3A_193 = arith.constant 1024 : i32
        %mul3A_194 = arith.muli %mul3A_186, %mul3A_193 : i32
        %add3A_195 = arith.addi %mul3A_6, %mul3A_194 : i32
        %multiple_of3A_196 = tpu.assume_multiple %add3A_195, 8 : i32
        %dma_wait3A_197 = tpu.memref_slice %arg3[%multiple_of3A_196] : memref<3213312xi32, #tpu.memory_space<hbm>> -> memref<1024xi32, #tpu.memory_space<hbm>>
        %dma_wait3A_198 = tpu.memref_slice %arg3[%multiple_of3A_196] : memref<3213312xi32, #tpu.memory_space<hbm>> -> memref<1024xi32, #tpu.memory_space<hbm>>
        tpu.wait_dma2 semaphore(%arg21 : memref<!tpu.dma_semaphore, #tpu.memory_space<semaphore_mem>>) src(%dma_wait3A_198 : memref<1024xi32, #tpu.memory_space<hbm>>) dst(%arg10 : memref<1024xi32, #tpu.memory_space<vmem>>)
        %dma_wait3A_199 = arith.constant 0 : i32
        %dma_wait3A_200 = tpu.memref_slice %arg20[%dma_wait3A_199] : memref<102400xf32, #tpu.memory_space<vmem_shared>> -> memref<102400xf32, #tpu.memory_space<vmem_shared>>
        tpu.wait_indirect_dma semaphore(%arg24 : memref<!tpu.dma_semaphore, #tpu.memory_space<semaphore_mem>>) src(%arg14 : memref<1024xf32, #tpu.memory_space<vmem>>) dst(%dma_wait3A_200 : memref<102400xf32, #tpu.memory_space<vmem_shared>>)
        %add3A_201 = arith.constant 1 : i32
        %add3A_202 = arith.addi %mul3A_186, %add3A_201 : i32
        %mul3A_203 = arith.constant 1024 : i32
        %mul3A_204 = arith.muli %add3A_202, %mul3A_203 : i32
        %add3A_205 = arith.addi %mul3A_6, %mul3A_204 : i32
        %multiple_of3A_206 = tpu.assume_multiple %add3A_205, 8 : i32
        %dma_start3A_207 = tpu.memref_slice %arg2[%multiple_of3A_206] : memref<3213312xi32, #tpu.memory_space<hbm>> -> memref<1024xi32, #tpu.memory_space<hbm>>
        %dma_start3A_208 = tpu.memref_slice %arg2[%multiple_of3A_206] : memref<3213312xi32, #tpu.memory_space<hbm>> -> memref<1024xi32, #tpu.memory_space<hbm>>
        tpu.enqueue_dma source(%dma_start3A_208 : memref<1024xi32, #tpu.memory_space<hbm>>) target(%arg12 : memref<1024xi32, #tpu.memory_space<vmem>>) target_semaphore(%arg22 : memref<!tpu.dma_semaphore, #tpu.memory_space<semaphore_mem>>)
        %add3A_209 = arith.constant 1 : i32
        %add3A_210 = arith.addi %mul3A_186, %add3A_209 : i32
        %mul3A_211 = arith.constant 1024 : i32
        %mul3A_212 = arith.muli %add3A_210, %mul3A_211 : i32
        %add3A_213 = arith.addi %mul3A_6, %mul3A_212 : i32
        %multiple_of3A_214 = tpu.assume_multiple %add3A_213, 8 : i32
        %dma_start3A_215 = tpu.memref_slice %arg3[%multiple_of3A_214] : memref<3213312xi32, #tpu.memory_space<hbm>> -> memref<1024xi32, #tpu.memory_space<hbm>>
        %dma_start3A_216 = tpu.memref_slice %arg3[%multiple_of3A_214] : memref<3213312xi32, #tpu.memory_space<hbm>> -> memref<1024xi32, #tpu.memory_space<hbm>>
        tpu.enqueue_dma source(%dma_start3A_216 : memref<1024xi32, #tpu.memory_space<hbm>>) target(%arg13 : memref<1024xi32, #tpu.memory_space<vmem>>) target_semaphore(%arg22 : memref<!tpu.dma_semaphore, #tpu.memory_space<semaphore_mem>>)
        %parallel_loop3A_217 = arith.constant 0 : i32
        %parallel_loop3A_218 = arith.constant 64 : i32
        %parallel_loop3A_219 = arith.constant 1 : i32
        scf.for %parallel_loop3A_262 = %parallel_loop3A_217 to %parallel_loop3A_218 step %parallel_loop3A_219  : i32 {
          %parallel_loop3A_263 = arith.constant 16 : i32
          %parallel_loop3A_264 = arith.muli %parallel_loop3A_262, %parallel_loop3A_263 : i32
          %parallel_loop3A_265 = arith.index_cast %parallel_loop3A_264 : i32 to index
          %parallel_loop3A_266 = tpu.vector_load %arg9[%parallel_loop3A_265] {strides = array<i32>} : memref<1024xi32, #tpu.memory_space<vmem>>, vector<16xi32>,
          %parallel_loop3A_267 = tpu.vector_load_idx %arg8[%parallel_loop3A_266] : memref<102400xf32, #tpu.memory_space<vmem>>[vector<16xi32>], vector<16xf32>,
          %parallel_loop3A_268 = arith.index_cast %parallel_loop3A_264 : i32 to index
          %parallel_loop3A_269 = tpu.vector_load %arg11[%parallel_loop3A_268] {strides = array<i32>} : memref<1024xf32, #tpu.memory_space<vmem>>, vector<16xf32>,
          tpu.vector_store %arg11[%parallel_loop3A_268], %parallel_loop3A_267 {strides = array<i32>} : memref<1024xf32, #tpu.memory_space<vmem>>, vector<16xf32>,
        } {sc.loop_unroll_factor = 4 : i64, sc.parallel_access}
        %dma_start3A_220 = arith.constant 0 : i32
        %dma_start3A_221 = tpu.memref_slice %arg20[%dma_start3A_220] : memref<102400xf32, #tpu.memory_space<vmem_shared>> -> memref<102400xf32, #tpu.memory_space<vmem_shared>>
        tpu.enqueue_indirect_dma source(%arg11 : memref<1024xf32, #tpu.memory_space<vmem>>) target(%dma_start3A_221 : memref<102400xf32, #tpu.memory_space<vmem_shared>>) offsets(%arg10 : memref<1024xi32, #tpu.memory_space<vmem>>) semaphore(%arg23 : memref<!tpu.dma_semaphore, #tpu.memory_space<semaphore_mem>>) {add = true}
        %add3A_222 = arith.constant 1 : i32
        %add3A_223 = arith.addi %mul3A_186, %add3A_222 : i32
        %mul3A_224 = arith.constant 1024 : i32
        %mul3A_225 = arith.muli %add3A_223, %mul3A_224 : i32
        %add3A_226 = arith.addi %mul3A_6, %mul3A_225 : i32
        %multiple_of3A_227 = tpu.assume_multiple %add3A_226, 8 : i32
        %dma_wait3A_228 = tpu.memref_slice %arg2[%multiple_of3A_227] : memref<3213312xi32, #tpu.memory_space<hbm>> -> memref<1024xi32, #tpu.memory_space<hbm>>
        %dma_wait3A_229 = tpu.memref_slice %arg2[%multiple_of3A_227] : memref<3213312xi32, #tpu.memory_space<hbm>> -> memref<1024xi32, #tpu.memory_space<hbm>>
        tpu.wait_dma2 semaphore(%arg22 : memref<!tpu.dma_semaphore, #tpu.memory_space<semaphore_mem>>) src(%dma_wait3A_229 : memref<1024xi32, #tpu.memory_space<hbm>>) dst(%arg12 : memref<1024xi32, #tpu.memory_space<vmem>>)
        %add3A_230 = arith.constant 1 : i32
        %add3A_231 = arith.addi %mul3A_186, %add3A_230 : i32
        %mul3A_232 = arith.constant 1024 : i32
        %mul3A_233 = arith.muli %add3A_231, %mul3A_232 : i32
        %add3A_234 = arith.addi %mul3A_6, %mul3A_233 : i32
        %multiple_of3A_235 = tpu.assume_multiple %add3A_234, 8 : i32
        %dma_wait3A_236 = tpu.memref_slice %arg3[%multiple_of3A_235] : memref<3213312xi32, #tpu.memory_space<hbm>> -> memref<1024xi32, #tpu.memory_space<hbm>>
        %dma_wait3A_237 = tpu.memref_slice %arg3[%multiple_of3A_235] : memref<3213312xi32, #tpu.memory_space<hbm>> -> memref<1024xi32, #tpu.memory_space<hbm>>
        tpu.wait_dma2 semaphore(%arg22 : memref<!tpu.dma_semaphore, #tpu.memory_space<semaphore_mem>>) src(%dma_wait3A_237 : memref<1024xi32, #tpu.memory_space<hbm>>) dst(%arg13 : memref<1024xi32, #tpu.memory_space<vmem>>)
        %parallel_loop3A_238 = arith.constant 0 : i32
        %parallel_loop3A_239 = arith.constant 64 : i32
        %parallel_loop3A_240 = arith.constant 1 : i32
        scf.for %parallel_loop3A_262 = %parallel_loop3A_238 to %parallel_loop3A_239 step %parallel_loop3A_240  : i32 {
          %parallel_loop3A_263 = arith.constant 16 : i32
          %parallel_loop3A_264 = arith.muli %parallel_loop3A_262, %parallel_loop3A_263 : i32
          %parallel_loop3A_265 = arith.index_cast %parallel_loop3A_264 : i32 to index
          %parallel_loop3A_266 = tpu.vector_load %arg12[%parallel_loop3A_265] {strides = array<i32>} : memref<1024xi32, #tpu.memory_space<vmem>>, vector<16xi32>,
          %parallel_loop3A_267 = tpu.vector_load_idx %arg8[%parallel_loop3A_266] : memref<102400xf32, #tpu.memory_space<vmem>>[vector<16xi32>], vector<16xf32>,
          %parallel_loop3A_268 = arith.index_cast %parallel_loop3A_264 : i32 to index
          %parallel_loop3A_269 = tpu.vector_load %arg14[%parallel_loop3A_268] {strides = array<i32>} : memref<1024xf32, #tpu.memory_space<vmem>>, vector<16xf32>,
          tpu.vector_store %arg14[%parallel_loop3A_268], %parallel_loop3A_267 {strides = array<i32>} : memref<1024xf32, #tpu.memory_space<vmem>>, vector<16xf32>,
        } {sc.loop_unroll_factor = 4 : i64, sc.parallel_access}
        %dma_wait3A_241 = arith.constant 0 : i32
        %dma_wait3A_242 = tpu.memref_slice %arg20[%dma_wait3A_241] : memref<102400xf32, #tpu.memory_space<vmem_shared>> -> memref<102400xf32, #tpu.memory_space<vmem_shared>>
        tpu.wait_indirect_dma semaphore(%arg23 : memref<!tpu.dma_semaphore, #tpu.memory_space<semaphore_mem>>) src(%arg11 : memref<1024xf32, #tpu.memory_space<vmem>>) dst(%dma_wait3A_242 : memref<102400xf32, #tpu.memory_space<vmem_shared>>)
        %add3A_243 = arith.constant 2 : i32
        %add3A_244 = arith.addi %mul3A_186, %add3A_243 : i32
        %mul3A_245 = arith.constant 1024 : i32
        %mul3A_246 = arith.muli %add3A_244, %mul3A_245 : i32
        %add3A_247 = arith.addi %mul3A_6, %mul3A_246 : i32
        %multiple_of3A_248 = tpu.assume_multiple %add3A_247, 8 : i32
        %dma_start3A_249 = tpu.memref_slice %arg2[%multiple_of3A_248] : memref<3213312xi32, #tpu.memory_space<hbm>> -> memref<1024xi32, #tpu.memory_space<hbm>>
        %dma_start3A_250 = tpu.memref_slice %arg2[%multiple_of3A_248] : memref<3213312xi32, #tpu.memory_space<hbm>> -> memref<1024xi32, #tpu.memory_space<hbm>>
        tpu.enqueue_dma source(%dma_start3A_250 : memref<1024xi32, #tpu.memory_space<hbm>>) target(%arg9 : memref<1024xi32, #tpu.memory_space<vmem>>) target_semaphore(%arg21 : memref<!tpu.dma_semaphore, #tpu.memory_space<semaphore_mem>>)
        %add3A_251 = arith.constant 2 : i32
        %add3A_252 = arith.addi %mul3A_186, %add3A_251 : i32
        %mul3A_253 = arith.constant 1024 : i32
        %mul3A_254 = arith.muli %add3A_252, %mul3A_253 : i32
        %add3A_255 = arith.addi %mul3A_6, %mul3A_254 : i32
        %multiple_of3A_256 = tpu.assume_multiple %add3A_255, 8 : i32
        %dma_start3A_257 = tpu.memref_slice %arg3[%multiple_of3A_256] : memref<3213312xi32, #tpu.memory_space<hbm>> -> memref<1024xi32, #tpu.memory_space<hbm>>
        %dma_start3A_258 = tpu.memref_slice %arg3[%multiple_of3A_256] : memref<3213312xi32, #tpu.memory_space<hbm>> -> memref<1024xi32, #tpu.memory_space<hbm>>
        tpu.enqueue_dma source(%dma_start3A_258 : memref<1024xi32, #tpu.memory_space<hbm>>) target(%arg10 : memref<1024xi32, #tpu.memory_space<vmem>>) target_semaphore(%arg21 : memref<!tpu.dma_semaphore, #tpu.memory_space<semaphore_mem>>)
        %dma_start3A_259 = arith.constant 0 : i32
        %dma_start3A_260 = tpu.memref_slice %arg20[%dma_start3A_259] : memref<102400xf32, #tpu.memory_space<vmem_shared>> -> memref<102400xf32, #tpu.memory_space<vmem_shared>>
        tpu.enqueue_indirect_dma source(%arg14 : memref<1024xf32, #tpu.memory_space<vmem>>) target(%dma_start3A_260 : memref<102400xf32, #tpu.memory_space<vmem_shared>>) offsets(%arg13 : memref<1024xi32, #tpu.memory_space<vmem>>) semaphore(%arg24 : memref<!tpu.dma_semaphore, #tpu.memory_space<semaphore_mem>>) {add = true}
        %scan3A_261 = arith.constant 0 : i32
        scf.yield %scan3A_261 : i32
      }
      %scan3A_120 = arith.constant 49 : i32
      %add3A_121 = arith.constant 100352 : i32
      %add3A_122 = arith.addi %mul3A_6, %add3A_121 : i32
      %multiple_of3A_123 = tpu.assume_multiple %add3A_122, 8 : i32
      %dma_wait3A_124 = tpu.memref_slice %arg2[%multiple_of3A_123] : memref<3213312xi32, #tpu.memory_space<hbm>> -> memref<1024xi32, #tpu.memory_space<hbm>>
      %dma_wait3A_125 = tpu.memref_slice %arg2[%multiple_of3A_123] : memref<3213312xi32, #tpu.memory_space<hbm>> -> memref<1024xi32, #tpu.memory_space<hbm>>
      tpu.wait_dma2 semaphore(%arg21 : memref<!tpu.dma_semaphore, #tpu.memory_space<semaphore_mem>>) src(%dma_wait3A_125 : memref<1024xi32, #tpu.memory_space<hbm>>) dst(%arg9 : memref<1024xi32, #tpu.memory_space<vmem>>)
      %add3A_126 = arith.constant 100352 : i32
      %add3A_127 = arith.addi %mul3A_6, %add3A_126 : i32
      %multiple_of3A_128 = tpu.assume_multiple %add3A_127, 8 : i32
      %dma_wait3A_129 = tpu.memref_slice %arg3[%multiple_of3A_128] : memref<3213312xi32, #tpu.memory_space<hbm>> -> memref<1024xi32, #tpu.memory_space<hbm>>
      %dma_wait3A_130 = tpu.memref_slice %arg3[%multiple_of3A_128] : memref<3213312xi32, #tpu.memory_space<hbm>> -> memref<1024xi32, #tpu.memory_space<hbm>>
      tpu.wait_dma2 semaphore(%arg21 : memref<!tpu.dma_semaphore, #tpu.memory_space<semaphore_mem>>) src(%dma_wait3A_130 : memref<1024xi32, #tpu.memory_space<hbm>>) dst(%arg10 : memref<1024xi32, #tpu.memory_space<vmem>>)
      %dma_wait3A_131 = arith.constant 0 : i32
      %dma_wait3A_132 = tpu.memref_slice %arg20[%dma_wait3A_131] : memref<102400xf32, #tpu.memory_space<vmem_shared>> -> memref<102400xf32, #tpu.memory_space<vmem_shared>>
      tpu.wait_indirect_dma semaphore(%arg24 : memref<!tpu.dma_semaphore, #tpu.memory_space<semaphore_mem>>) src(%arg14 : memref<1024xf32, #tpu.memory_space<vmem>>) dst(%dma_wait3A_132 : memref<102400xf32, #tpu.memory_space<vmem_shared>>)
      %barrier3A_133 = arith.constant 0 : index
      tpu.barrier barrier_id(%barrier3A_133)
      %mul3A_134 = arith.constant 102400 : i32
      %mul3A_135 = arith.muli %arg0, %mul3A_134 : i32
      %add3A_136 = arith.addi %mul3A_135, %mul3A_2 : i32
      "tpu.region"() ({
        %run_scoped3A = tpu.sem_alloc : memref<!tpu.dma_semaphore, #tpu.memory_space<semaphore_mem>>
        %dma_start3A_183 = tpu.memref_slice %arg7[%add3A_136] : memref<204800xf32, #tpu.memory_space<hbm>> -> memref<6400xf32, #tpu.memory_space<hbm>>
        %dma_start3A_184 = tpu.memref_slice %arg20[%mul3A_2] : memref<102400xf32, #tpu.memory_space<vmem_shared>> -> memref<6400xf32, #tpu.memory_space<vmem_shared>>
        tpu.enqueue_dma source(%dma_start3A_184 : memref<6400xf32, #tpu.memory_space<vmem_shared>>) target(%dma_start3A_183 : memref<6400xf32, #tpu.memory_space<hbm>>) target_semaphore(%run_scoped3A : memref<!tpu.dma_semaphore, #tpu.memory_space<semaphore_mem>>)
        %dma_wait3A_185 = tpu.memref_slice %arg7[%add3A_136] : memref<204800xf32, #tpu.memory_space<hbm>> -> memref<6400xf32, #tpu.memory_space<hbm>>
        %dma_wait3A_186 = tpu.memref_slice %arg20[%mul3A_2] : memref<102400xf32, #tpu.memory_space<vmem_shared>> -> memref<6400xf32, #tpu.memory_space<vmem_shared>>
        tpu.wait_dma2 semaphore(%run_scoped3A : memref<!tpu.dma_semaphore, #tpu.memory_space<semaphore_mem>>) src(%dma_wait3A_186 : memref<6400xf32, #tpu.memory_space<vmem_shared>>) dst(%dma_wait3A_185 : memref<6400xf32, #tpu.memory_space<hbm>>)
        tpu.yield
      }) : () -> ()
      %mul3A_137 = arith.constant 2 : i32
      %mul3A_138 = arith.muli %mul3A_137, %scan3A_93 : i32
      %add3A_139 = arith.constant 3 : i32
      %add3A_140 = arith.addi %add3A_139, %mul3A_138 : i32
      %broadcast_in_dim3A_141 = arith.constant 0 : i32
      %broadcast_in_dim3A_142 = vector.broadcast %broadcast_in_dim3A_141 : i32 to vector<16xi32>
      %add3A_143 = vector.broadcast %add3A_140 : i32 to vector<16xi32>
      %add3A_144 = arith.addi %broadcast_in_dim3A_142, %add3A_143 : vector<16xi32>
      %swap3A_145 = arith.constant 0 : index
      %swap3A_146 = tpu.vector_load %arg18[%swap3A_145] {strides = array<i32>} : memref<16xi32, #tpu.memory_space<vmem>>, vector<16xi32>,
      tpu.vector_store %arg18[%swap3A_145], %add3A_144 {strides = array<i32>} : memref<16xi32, #tpu.memory_space<vmem>>, vector<16xi32>,
      %mul3A_147 = arith.constant 16 : i32
      %mul3A_148 = arith.muli %add3A, %mul3A_147 : i32
      "tpu.region"() ({
        %run_scoped3A = tpu.sem_alloc : memref<!tpu.dma_semaphore, #tpu.memory_space<semaphore_mem>>
        %dma_start3A_183 = tpu.memref_slice %arg4[%mul3A_148] : memref<512xi32, #tpu.memory_space<hbm>> -> memref<16xi32, #tpu.memory_space<hbm>>
        %dma_start3A_184 = tpu.memref_slice %arg4[%mul3A_148] : memref<512xi32, #tpu.memory_space<hbm>> -> memref<16xi32, #tpu.memory_space<hbm>>
        tpu.enqueue_dma source(%arg18 : memref<16xi32, #tpu.memory_space<vmem>>) target(%dma_start3A_184 : memref<16xi32, #tpu.memory_space<hbm>>) target_semaphore(%run_scoped3A : memref<!tpu.dma_semaphore, #tpu.memory_space<semaphore_mem>>)
        %dma_wait3A_185 = tpu.memref_slice %arg4[%mul3A_148] : memref<512xi32, #tpu.memory_space<hbm>> -> memref<16xi32, #tpu.memory_space<hbm>>
        %dma_wait3A_186 = tpu.memref_slice %arg4[%mul3A_148] : memref<512xi32, #tpu.memory_space<hbm>> -> memref<16xi32, #tpu.memory_space<hbm>>
        tpu.wait_dma2 semaphore(%run_scoped3A : memref<!tpu.dma_semaphore, #tpu.memory_space<semaphore_mem>>) src(%arg18 : memref<16xi32, #tpu.memory_space<vmem>>) dst(%dma_wait3A_186 : memref<16xi32, #tpu.memory_space<hbm>>)
        tpu.yield
      }) : () -> ()
      %while3A_149 = arith.constant 0 : i32
      %while3A_150 = scf.while (%while3A_183 = %while3A_149) : (i32) -> i32 {
        %lt3A = arith.cmpi slt, %while3A_183, %add3A_140 : i32
        scf.condition(%lt3A) %while3A_183 : i32
      } do {
      ^bb0(%while3A_183: i32):
        "tpu.region"() ({
          %run_scoped3A = tpu.sem_alloc : memref<!tpu.dma_semaphore, #tpu.memory_space<semaphore_mem>>
          tpu.enqueue_dma source(%arg4 : memref<512xi32, #tpu.memory_space<hbm>>) target(%arg19 : memref<512xi32, #tpu.memory_space<vmem>>) target_semaphore(%run_scoped3A : memref<!tpu.dma_semaphore, #tpu.memory_space<semaphore_mem>>)
          tpu.wait_dma2 semaphore(%run_scoped3A : memref<!tpu.dma_semaphore, #tpu.memory_space<semaphore_mem>>) src(%arg4 : memref<512xi32, #tpu.memory_space<hbm>>) dst(%arg19 : memref<512xi32, #tpu.memory_space<vmem>>)
          tpu.yield
        }) : () -> ()
        %get3A = arith.constant 0 : index
        %get3A_184 = tpu.vector_load %arg19[%get3A] {strides = array<i32>} : memref<512xi32, #tpu.memory_space<vmem>>, vector<16xi32>,
        %get3A_185 = arith.constant 16 : index
        %get3A_186 = tpu.vector_load %arg19[%get3A_185] {strides = array<i32>} : memref<512xi32, #tpu.memory_space<vmem>>, vector<16xi32>,
        %min3A = arith.minsi %get3A_184, %get3A_186 : vector<16xi32>
        %get3A_187 = arith.constant 32 : index
        %get3A_188 = tpu.vector_load %arg19[%get3A_187] {strides = array<i32>} : memref<512xi32, #tpu.memory_space<vmem>>, vector<16xi32>,
        %min3A_189 = arith.minsi %min3A, %get3A_188 : vector<16xi32>
        %get3A_190 = arith.constant 48 : index
        %get3A_191 = tpu.vector_load %arg19[%get3A_190] {strides = array<i32>} : memref<512xi32, #tpu.memory_space<vmem>>, vector<16xi32>,
        %min3A_192 = arith.minsi %min3A_189, %get3A_191 : vector<16xi32>
        %get3A_193 = arith.constant 64 : index
        %get3A_194 = tpu.vector_load %arg19[%get3A_193] {strides = array<i32>} : memref<512xi32, #tpu.memory_space<vmem>>, vector<16xi32>,
        %min3A_195 = arith.minsi %min3A_192, %get3A_194 : vector<16xi32>
        %get3A_196 = arith.constant 80 : index
        %get3A_197 = tpu.vector_load %arg19[%get3A_196] {strides = array<i32>} : memref<512xi32, #tpu.memory_space<vmem>>, vector<16xi32>,
        %min3A_198 = arith.minsi %min3A_195, %get3A_197 : vector<16xi32>
        %get3A_199 = arith.constant 96 : index
        %get3A_200 = tpu.vector_load %arg19[%get3A_199] {strides = array<i32>} : memref<512xi32, #tpu.memory_space<vmem>>, vector<16xi32>,
        %min3A_201 = arith.minsi %min3A_198, %get3A_200 : vector<16xi32>
        %get3A_202 = arith.constant 112 : index
        %get3A_203 = tpu.vector_load %arg19[%get3A_202] {strides = array<i32>} : memref<512xi32, #tpu.memory_space<vmem>>, vector<16xi32>,
        %min3A_204 = arith.minsi %min3A_201, %get3A_203 : vector<16xi32>
        %get3A_205 = arith.constant 128 : index
        %get3A_206 = tpu.vector_load %arg19[%get3A_205] {strides = array<i32>} : memref<512xi32, #tpu.memory_space<vmem>>, vector<16xi32>,
        %min3A_207 = arith.minsi %min3A_204, %get3A_206 : vector<16xi32>
        %get3A_208 = arith.constant 144 : index
        %get3A_209 = tpu.vector_load %arg19[%get3A_208] {strides = array<i32>} : memref<512xi32, #tpu.memory_space<vmem>>, vector<16xi32>,
        %min3A_210 = arith.minsi %min3A_207, %get3A_209 : vector<16xi32>
        %get3A_211 = arith.constant 160 : index
        %get3A_212 = tpu.vector_load %arg19[%get3A_211] {strides = array<i32>} : memref<512xi32, #tpu.memory_space<vmem>>, vector<16xi32>,
        %min3A_213 = arith.minsi %min3A_210, %get3A_212 : vector<16xi32>
        %get3A_214 = arith.constant 176 : index
        %get3A_215 = tpu.vector_load %arg19[%get3A_214] {strides = array<i32>} : memref<512xi32, #tpu.memory_space<vmem>>, vector<16xi32>,
        %min3A_216 = arith.minsi %min3A_213, %get3A_215 : vector<16xi32>
        %get3A_217 = arith.constant 192 : index
        %get3A_218 = tpu.vector_load %arg19[%get3A_217] {strides = array<i32>} : memref<512xi32, #tpu.memory_space<vmem>>, vector<16xi32>,
        %min3A_219 = arith.minsi %min3A_216, %get3A_218 : vector<16xi32>
        %get3A_220 = arith.constant 208 : index
        %get3A_221 = tpu.vector_load %arg19[%get3A_220] {strides = array<i32>} : memref<512xi32, #tpu.memory_space<vmem>>, vector<16xi32>,
        %min3A_222 = arith.minsi %min3A_219, %get3A_221 : vector<16xi32>
        %get3A_223 = arith.constant 224 : index
        %get3A_224 = tpu.vector_load %arg19[%get3A_223] {strides = array<i32>} : memref<512xi32, #tpu.memory_space<vmem>>, vector<16xi32>,
        %min3A_225 = arith.minsi %min3A_222, %get3A_224 : vector<16xi32>
        %get3A_226 = arith.constant 240 : index
        %get3A_227 = tpu.vector_load %arg19[%get3A_226] {strides = array<i32>} : memref<512xi32, #tpu.memory_space<vmem>>, vector<16xi32>,
        %min3A_228 = arith.minsi %min3A_225, %get3A_227 : vector<16xi32>
        %get3A_229 = arith.constant 256 : index
        %get3A_230 = tpu.vector_load %arg19[%get3A_229] {strides = array<i32>} : memref<512xi32, #tpu.memory_space<vmem>>, vector<16xi32>,
        %min3A_231 = arith.minsi %min3A_228, %get3A_230 : vector<16xi32>
        %get3A_232 = arith.constant 272 : index
        %get3A_233 = tpu.vector_load %arg19[%get3A_232] {strides = array<i32>} : memref<512xi32, #tpu.memory_space<vmem>>, vector<16xi32>,
        %min3A_234 = arith.minsi %min3A_231, %get3A_233 : vector<16xi32>
        %get3A_235 = arith.constant 288 : index
        %get3A_236 = tpu.vector_load %arg19[%get3A_235] {strides = array<i32>} : memref<512xi32, #tpu.memory_space<vmem>>, vector<16xi32>,
        %min3A_237 = arith.minsi %min3A_234, %get3A_236 : vector<16xi32>
        %get3A_238 = arith.constant 304 : index
        %get3A_239 = tpu.vector_load %arg19[%get3A_238] {strides = array<i32>} : memref<512xi32, #tpu.memory_space<vmem>>, vector<16xi32>,
        %min3A_240 = arith.minsi %min3A_237, %get3A_239 : vector<16xi32>
        %get3A_241 = arith.constant 320 : index
        %get3A_242 = tpu.vector_load %arg19[%get3A_241] {strides = array<i32>} : memref<512xi32, #tpu.memory_space<vmem>>, vector<16xi32>,
        %min3A_243 = arith.minsi %min3A_240, %get3A_242 : vector<16xi32>
        %get3A_244 = arith.constant 336 : index
        %get3A_245 = tpu.vector_load %arg19[%get3A_244] {strides = array<i32>} : memref<512xi32, #tpu.memory_space<vmem>>, vector<16xi32>,
        %min3A_246 = arith.minsi %min3A_243, %get3A_245 : vector<16xi32>
        %get3A_247 = arith.constant 352 : index
        %get3A_248 = tpu.vector_load %arg19[%get3A_247] {strides = array<i32>} : memref<512xi32, #tpu.memory_space<vmem>>, vector<16xi32>,
        %min3A_249 = arith.minsi %min3A_246, %get3A_248 : vector<16xi32>
        %get3A_250 = arith.constant 368 : index
        %get3A_251 = tpu.vector_load %arg19[%get3A_250] {strides = array<i32>} : memref<512xi32, #tpu.memory_space<vmem>>, vector<16xi32>,
        %min3A_252 = arith.minsi %min3A_249, %get3A_251 : vector<16xi32>
        %get3A_253 = arith.constant 384 : index
        %get3A_254 = tpu.vector_load %arg19[%get3A_253] {strides = array<i32>} : memref<512xi32, #tpu.memory_space<vmem>>, vector<16xi32>,
        %min3A_255 = arith.minsi %min3A_252, %get3A_254 : vector<16xi32>
        %get3A_256 = arith.constant 400 : index
        %get3A_257 = tpu.vector_load %arg19[%get3A_256] {strides = array<i32>} : memref<512xi32, #tpu.memory_space<vmem>>, vector<16xi32>,
        %min3A_258 = arith.minsi %min3A_255, %get3A_257 : vector<16xi32>
        %get3A_259 = arith.constant 416 : index
        %get3A_260 = tpu.vector_load %arg19[%get3A_259] {strides = array<i32>} : memref<512xi32, #tpu.memory_space<vmem>>, vector<16xi32>,
        %min3A_261 = arith.minsi %min3A_258, %get3A_260 : vector<16xi32>
        %get3A_262 = arith.constant 432 : index
        %get3A_263 = tpu.vector_load %arg19[%get3A_262] {strides = array<i32>} : memref<512xi32, #tpu.memory_space<vmem>>, vector<16xi32>,
        %min3A_264 = arith.minsi %min3A_261, %get3A_263 : vector<16xi32>
        %get3A_265 = arith.constant 448 : index
        %get3A_266 = tpu.vector_load %arg19[%get3A_265] {strides = array<i32>} : memref<512xi32, #tpu.memory_space<vmem>>, vector<16xi32>,
        %min3A_267 = arith.minsi %min3A_264, %get3A_266 : vector<16xi32>
        %get3A_268 = arith.constant 464 : index
        %get3A_269 = tpu.vector_load %arg19[%get3A_268] {strides = array<i32>} : memref<512xi32, #tpu.memory_space<vmem>>, vector<16xi32>,
        %min3A_270 = arith.minsi %min3A_267, %get3A_269 : vector<16xi32>
        %get3A_271 = arith.constant 480 : index
        %get3A_272 = tpu.vector_load %arg19[%get3A_271] {strides = array<i32>} : memref<512xi32, #tpu.memory_space<vmem>>, vector<16xi32>,
        %min3A_273 = arith.minsi %min3A_270, %get3A_272 : vector<16xi32>
        %get3A_274 = arith.constant 496 : index
        %get3A_275 = tpu.vector_load %arg19[%get3A_274] {strides = array<i32>} : memref<512xi32, #tpu.memory_space<vmem>>, vector<16xi32>,
        %min3A_276 = arith.minsi %min3A_273, %get3A_275 : vector<16xi32>
        %reduce_min3A = arith.constant true
        %reduce_min3A_277 = vector.broadcast %reduce_min3A : i1 to vector<16xi1>
        %reduce_min3A_278 = arith.constant -2147483648 : i32
        %reduce_min3A_279 = vector.broadcast %reduce_min3A_278 : i32 to vector<16xi32>
        %reduce_min3A_280 = arith.xori %min3A_276, %reduce_min3A_279 : vector<16xi32>
        %reduce_min3A_281 = tpu.scan <min>, %reduce_min3A_280 masked %reduce_min3A_277 : vector<16xi32>, vector<16xi1> -> vector<16xi32>
        %reduce_min3A_282 = arith.xori %reduce_min3A_281, %reduce_min3A_279 : vector<16xi32>
        %reduce_min3A_283 = vector.extract %reduce_min3A_282[15] : i32 from vector<16xi32>
        scf.yield %reduce_min3A_283 : i32
      }
      "tpu.region"() ({
        %run_scoped3A = tpu.sem_alloc : memref<!tpu.dma_semaphore, #tpu.memory_space<semaphore_mem>>
        %dma_start3A_183 = arith.constant 0 : i32
        %dma_start3A_184 = tpu.memref_slice %arg15[%dma_start3A_183] : memref<6400xf32, #tpu.memory_space<vmem>> -> memref<3200xf32, #tpu.memory_space<vmem>>
        %dma_start3A_185 = tpu.memref_slice %arg7[%mul3A_4] : memref<204800xf32, #tpu.memory_space<hbm>> -> memref<3200xf32, #tpu.memory_space<hbm>>
        %dma_start3A_186 = arith.constant 0 : i32
        %dma_start3A_187 = tpu.memref_slice %arg15[%dma_start3A_186] : memref<6400xf32, #tpu.memory_space<vmem>> -> memref<3200xf32, #tpu.memory_space<vmem>>
        %dma_start3A_188 = tpu.memref_slice %arg7[%mul3A_4] : memref<204800xf32, #tpu.memory_space<hbm>> -> memref<3200xf32, #tpu.memory_space<hbm>>
        tpu.enqueue_dma source(%dma_start3A_188 : memref<3200xf32, #tpu.memory_space<hbm>>) target(%dma_start3A_187 : memref<3200xf32, #tpu.memory_space<vmem>>) target_semaphore(%run_scoped3A : memref<!tpu.dma_semaphore, #tpu.memory_space<semaphore_mem>>)
        %dma_wait3A_189 = arith.constant 0 : i32
        %dma_wait3A_190 = tpu.memref_slice %arg15[%dma_wait3A_189] : memref<6400xf32, #tpu.memory_space<vmem>> -> memref<3200xf32, #tpu.memory_space<vmem>>
        %dma_wait3A_191 = tpu.memref_slice %arg7[%mul3A_4] : memref<204800xf32, #tpu.memory_space<hbm>> -> memref<3200xf32, #tpu.memory_space<hbm>>
        %dma_wait3A_192 = arith.constant 0 : i32
        %dma_wait3A_193 = tpu.memref_slice %arg15[%dma_wait3A_192] : memref<6400xf32, #tpu.memory_space<vmem>> -> memref<3200xf32, #tpu.memory_space<vmem>>
        %dma_wait3A_194 = tpu.memref_slice %arg7[%mul3A_4] : memref<204800xf32, #tpu.memory_space<hbm>> -> memref<3200xf32, #tpu.memory_space<hbm>>
        tpu.wait_dma2 semaphore(%run_scoped3A : memref<!tpu.dma_semaphore, #tpu.memory_space<semaphore_mem>>) src(%dma_wait3A_194 : memref<3200xf32, #tpu.memory_space<hbm>>) dst(%dma_wait3A_193 : memref<3200xf32, #tpu.memory_space<vmem>>)
        tpu.yield
      }) : () -> ()
      %add3A_151 = arith.constant 102400 : i32
      %add3A_152 = arith.addi %add3A_151, %mul3A_4 : i32
      "tpu.region"() ({
        %run_scoped3A = tpu.sem_alloc : memref<!tpu.dma_semaphore, #tpu.memory_space<semaphore_mem>>
        %dma_start3A_183 = tpu.memref_slice %arg7[%add3A_152] : memref<204800xf32, #tpu.memory_space<hbm>> -> memref<3200xf32, #tpu.memory_space<hbm>>
        %dma_start3A_184 = tpu.memref_slice %arg7[%add3A_152] : memref<204800xf32, #tpu.memory_space<hbm>> -> memref<3200xf32, #tpu.memory_space<hbm>>
        tpu.enqueue_dma source(%dma_start3A_184 : memref<3200xf32, #tpu.memory_space<hbm>>) target(%arg16 : memref<3200xf32, #tpu.memory_space<vmem>>) target_semaphore(%run_scoped3A : memref<!tpu.dma_semaphore, #tpu.memory_space<semaphore_mem>>)
        %dma_wait3A_185 = tpu.memref_slice %arg7[%add3A_152] : memref<204800xf32, #tpu.memory_space<hbm>> -> memref<3200xf32, #tpu.memory_space<hbm>>
        %dma_wait3A_186 = tpu.memref_slice %arg7[%add3A_152] : memref<204800xf32, #tpu.memory_space<hbm>> -> memref<3200xf32, #tpu.memory_space<hbm>>
        tpu.wait_dma2 semaphore(%run_scoped3A : memref<!tpu.dma_semaphore, #tpu.memory_space<semaphore_mem>>) src(%dma_wait3A_186 : memref<3200xf32, #tpu.memory_space<hbm>>) dst(%arg16 : memref<3200xf32, #tpu.memory_space<vmem>>)
        tpu.yield
      }) : () -> ()
      %parallel_loop3A_153 = arith.constant 0 : i32
      %parallel_loop3A_154 = arith.constant 200 : i32
      %parallel_loop3A_155 = arith.constant 1 : i32
      scf.for %parallel_loop3A_183 = %parallel_loop3A_153 to %parallel_loop3A_154 step %parallel_loop3A_155  : i32 {
        %parallel_loop3A_184 = arith.constant 16 : i32
        %parallel_loop3A_185 = arith.muli %parallel_loop3A_183, %parallel_loop3A_184 : i32
        %parallel_loop3A_186 = arith.index_cast %parallel_loop3A_185 : i32 to index
        %parallel_loop3A_187 = tpu.vector_load %arg15[%parallel_loop3A_186] {strides = array<i32>} : memref<6400xf32, #tpu.memory_space<vmem>>, vector<16xf32>,
        %parallel_loop3A_188 = arith.constant 16 : i32
        %parallel_loop3A_189 = arith.muli %parallel_loop3A_183, %parallel_loop3A_188 : i32
        %parallel_loop3A_190 = arith.index_cast %parallel_loop3A_189 : i32 to index
        %parallel_loop3A_191 = tpu.vector_load %arg16[%parallel_loop3A_190] {strides = array<i32>} : memref<3200xf32, #tpu.memory_space<vmem>>, vector<16xf32>,
        %parallel_loop3A_192 = arith.addf %parallel_loop3A_187, %parallel_loop3A_191 : vector<16xf32>
        %parallel_loop3A_193 = arith.constant 16 : i32
        %parallel_loop3A_194 = arith.muli %parallel_loop3A_183, %parallel_loop3A_193 : i32
        %parallel_loop3A_195 = arith.addi %mul3A_4, %parallel_loop3A_194 : i32
        %parallel_loop3A_196 = arith.index_cast %parallel_loop3A_195 : i32 to index
        %parallel_loop3A_197 = tpu.vector_load %arg8[%parallel_loop3A_196] {strides = array<i32>} : memref<102400xf32, #tpu.memory_space<vmem>>, vector<16xf32>,
        %parallel_loop3A_198 = arith.constant 16 : i32
        %parallel_loop3A_199 = arith.muli %parallel_loop3A_183, %parallel_loop3A_198 : i32
        %parallel_loop3A_200 = arith.index_cast %parallel_loop3A_199 : i32 to index
        %parallel_loop3A_201 = tpu.vector_load %arg17[%parallel_loop3A_200] {strides = array<i32>} : memref<3200xf32, #tpu.memory_space<vmem>>, vector<16xf32>,
        %parallel_loop3A_202 = arith.divf %parallel_loop3A_197, %parallel_loop3A_201 : vector<16xf32>
        %parallel_loop3A_203 = arith.addf %parallel_loop3A_192, %parallel_loop3A_197 : vector<16xf32>
        %parallel_loop3A_204 = arith.mulf %parallel_loop3A_201, %parallel_loop3A_203 : vector<16xf32>
        %parallel_loop3A_205 = arith.constant 0.899999976 : f32
        %parallel_loop3A_206 = vector.broadcast %parallel_loop3A_205 : f32 to vector<16xf32>
        %parallel_loop3A_207 = arith.mulf %parallel_loop3A_206, %parallel_loop3A_204 : vector<16xf32>
        %parallel_loop3A_208 = arith.constant 1.000000e-01 : f32
        %parallel_loop3A_209 = vector.broadcast %parallel_loop3A_208 : f32 to vector<16xf32>
        %parallel_loop3A_210 = arith.mulf %parallel_loop3A_209, %parallel_loop3A_202 : vector<16xf32>
        %parallel_loop3A_211 = arith.addf %parallel_loop3A_207, %parallel_loop3A_210 : vector<16xf32>
        %parallel_loop3A_212 = arith.constant 16 : i32
        %parallel_loop3A_213 = arith.muli %parallel_loop3A_183, %parallel_loop3A_212 : i32
        %parallel_loop3A_214 = arith.index_cast %parallel_loop3A_213 : i32 to index
        %parallel_loop3A_215 = tpu.vector_load %arg15[%parallel_loop3A_214] {strides = array<i32>} : memref<6400xf32, #tpu.memory_space<vmem>>, vector<16xf32>,
        tpu.vector_store %arg15[%parallel_loop3A_214], %parallel_loop3A_211 {strides = array<i32>} : memref<6400xf32, #tpu.memory_space<vmem>>, vector<16xf32>,
      } {sc.loop_unroll_factor = 4 : i64, sc.parallel_access}
      %add3A_156 = arith.constant 1 : i32
      %add3A_157 = arith.addi %scan3A_93, %add3A_156 : i32
      %mul3A_158 = arith.constant 102400 : i32
      %mul3A_159 = arith.muli %add3A_157, %mul3A_158 : i32
      %add3A_160 = arith.addi %mul3A_159, %mul3A_4 : i32
      %multiple_of3A_161 = tpu.assume_multiple %add3A_160, 8 : i32
      "tpu.region"() ({
        %run_scoped3A = tpu.sem_alloc : memref<!tpu.dma_semaphore, #tpu.memory_space<semaphore_mem>>
        %dma_start3A_183 = arith.constant 0 : i32
        %dma_start3A_184 = tpu.memref_slice %arg15[%dma_start3A_183] : memref<6400xf32, #tpu.memory_space<vmem>> -> memref<3200xf32, #tpu.memory_space<vmem>>
        %dma_start3A_185 = tpu.memref_slice %arg5[%multiple_of3A_161] : memref<1638400xf32, #tpu.memory_space<hbm>> -> memref<3200xf32, #tpu.memory_space<hbm>>
        %dma_start3A_186 = tpu.memref_slice %arg5[%multiple_of3A_161] : memref<1638400xf32, #tpu.memory_space<hbm>> -> memref<3200xf32, #tpu.memory_space<hbm>>
        %dma_start3A_187 = arith.constant 0 : i32
        %dma_start3A_188 = tpu.memref_slice %arg15[%dma_start3A_187] : memref<6400xf32, #tpu.memory_space<vmem>> -> memref<3200xf32, #tpu.memory_space<vmem>>
        tpu.enqueue_dma source(%dma_start3A_188 : memref<3200xf32, #tpu.memory_space<vmem>>) target(%dma_start3A_186 : memref<3200xf32, #tpu.memory_space<hbm>>) target_semaphore(%run_scoped3A : memref<!tpu.dma_semaphore, #tpu.memory_space<semaphore_mem>>)
        %dma_wait3A_189 = arith.constant 0 : i32
        %dma_wait3A_190 = tpu.memref_slice %arg15[%dma_wait3A_189] : memref<6400xf32, #tpu.memory_space<vmem>> -> memref<3200xf32, #tpu.memory_space<vmem>>
        %dma_wait3A_191 = tpu.memref_slice %arg5[%multiple_of3A_161] : memref<1638400xf32, #tpu.memory_space<hbm>> -> memref<3200xf32, #tpu.memory_space<hbm>>
        %dma_wait3A_192 = tpu.memref_slice %arg5[%multiple_of3A_161] : memref<1638400xf32, #tpu.memory_space<hbm>> -> memref<3200xf32, #tpu.memory_space<hbm>>
        %dma_wait3A_193 = arith.constant 0 : i32
        %dma_wait3A_194 = tpu.memref_slice %arg15[%dma_wait3A_193] : memref<6400xf32, #tpu.memory_space<vmem>> -> memref<3200xf32, #tpu.memory_space<vmem>>
        tpu.wait_dma2 semaphore(%run_scoped3A : memref<!tpu.dma_semaphore, #tpu.memory_space<semaphore_mem>>) src(%dma_wait3A_194 : memref<3200xf32, #tpu.memory_space<vmem>>) dst(%dma_wait3A_192 : memref<3200xf32, #tpu.memory_space<hbm>>)
        tpu.yield
      }) : () -> ()
      %parallel_loop3A_162 = arith.constant 0 : i32
      %parallel_loop3A_163 = arith.constant 200 : i32
      %parallel_loop3A_164 = arith.constant 1 : i32
      scf.for %parallel_loop3A_183 = %parallel_loop3A_162 to %parallel_loop3A_163 step %parallel_loop3A_164  : i32 {
        %parallel_loop3A_184 = arith.constant 16 : i32
        %parallel_loop3A_185 = arith.muli %parallel_loop3A_183, %parallel_loop3A_184 : i32
        %parallel_loop3A_186 = arith.index_cast %parallel_loop3A_185 : i32 to index
        %parallel_loop3A_187 = tpu.vector_load %arg15[%parallel_loop3A_186] {strides = array<i32>} : memref<6400xf32, #tpu.memory_space<vmem>>, vector<16xf32>,
        %parallel_loop3A_188 = arith.constant 16 : i32
        %parallel_loop3A_189 = arith.muli %parallel_loop3A_183, %parallel_loop3A_188 : i32
        %parallel_loop3A_190 = arith.index_cast %parallel_loop3A_189 : i32 to index
        %parallel_loop3A_191 = tpu.vector_load %arg17[%parallel_loop3A_190] {strides = array<i32>} : memref<3200xf32, #tpu.memory_space<vmem>>, vector<16xf32>,
        %parallel_loop3A_192 = arith.mulf %parallel_loop3A_187, %parallel_loop3A_191 : vector<16xf32>
        %parallel_loop3A_193 = arith.constant 16 : i32
        %parallel_loop3A_194 = arith.muli %parallel_loop3A_183, %parallel_loop3A_193 : i32
        %parallel_loop3A_195 = arith.index_cast %parallel_loop3A_194 : i32 to index
        %parallel_loop3A_196 = tpu.vector_load %arg15[%parallel_loop3A_195] {strides = array<i32>} : memref<6400xf32, #tpu.memory_space<vmem>>, vector<16xf32>,
        tpu.vector_store %arg15[%parallel_loop3A_195], %parallel_loop3A_192 {strides = array<i32>} : memref<6400xf32, #tpu.memory_space<vmem>>, vector<16xf32>,
      } {sc.loop_unroll_factor = 4 : i64, sc.parallel_access}
      "tpu.region"() ({
        %run_scoped3A = tpu.sem_alloc : memref<!tpu.dma_semaphore, #tpu.memory_space<semaphore_mem>>
        %dma_start3A_183 = arith.constant 0 : i32
        %dma_start3A_184 = tpu.memref_slice %arg15[%dma_start3A_183] : memref<6400xf32, #tpu.memory_space<vmem>> -> memref<3200xf32, #tpu.memory_space<vmem>>
        %dma_start3A_185 = tpu.memref_slice %arg6[%mul3A_4] : memref<102400xf32, #tpu.memory_space<hbm>> -> memref<3200xf32, #tpu.memory_space<hbm>>
        %dma_start3A_186 = tpu.memref_slice %arg6[%mul3A_4] : memref<102400xf32, #tpu.memory_space<hbm>> -> memref<3200xf32, #tpu.memory_space<hbm>>
        %dma_start3A_187 = arith.constant 0 : i32
        %dma_start3A_188 = tpu.memref_slice %arg15[%dma_start3A_187] : memref<6400xf32, #tpu.memory_space<vmem>> -> memref<3200xf32, #tpu.memory_space<vmem>>
        tpu.enqueue_dma source(%dma_start3A_188 : memref<3200xf32, #tpu.memory_space<vmem>>) target(%dma_start3A_186 : memref<3200xf32, #tpu.memory_space<hbm>>) target_semaphore(%run_scoped3A : memref<!tpu.dma_semaphore, #tpu.memory_space<semaphore_mem>>)
        %dma_wait3A_189 = arith.constant 0 : i32
        %dma_wait3A_190 = tpu.memref_slice %arg15[%dma_wait3A_189] : memref<6400xf32, #tpu.memory_space<vmem>> -> memref<3200xf32, #tpu.memory_space<vmem>>
        %dma_wait3A_191 = tpu.memref_slice %arg6[%mul3A_4] : memref<102400xf32, #tpu.memory_space<hbm>> -> memref<3200xf32, #tpu.memory_space<hbm>>
        %dma_wait3A_192 = tpu.memref_slice %arg6[%mul3A_4] : memref<102400xf32, #tpu.memory_space<hbm>> -> memref<3200xf32, #tpu.memory_space<hbm>>
        %dma_wait3A_193 = arith.constant 0 : i32
        %dma_wait3A_194 = tpu.memref_slice %arg15[%dma_wait3A_193] : memref<6400xf32, #tpu.memory_space<vmem>> -> memref<3200xf32, #tpu.memory_space<vmem>>
        tpu.wait_dma2 semaphore(%run_scoped3A : memref<!tpu.dma_semaphore, #tpu.memory_space<semaphore_mem>>) src(%dma_wait3A_194 : memref<3200xf32, #tpu.memory_space<vmem>>) dst(%dma_wait3A_192 : memref<3200xf32, #tpu.memory_space<hbm>>)
        tpu.yield
      }) : () -> ()
      %parallel_loop3A_165 = arith.constant 0 : i32
      %parallel_loop3A_166 = arith.constant 400 : i32
      %parallel_loop3A_167 = arith.constant 1 : i32
      scf.for %parallel_loop3A_183 = %parallel_loop3A_165 to %parallel_loop3A_166 step %parallel_loop3A_167  : i32 {
        %parallel_loop3A_184 = arith.constant 16 : i32
        %parallel_loop3A_185 = arith.muli %parallel_loop3A_183, %parallel_loop3A_184 : i32
        %parallel_loop3A_186 = arith.index_cast %parallel_loop3A_185 : i32 to index
        %parallel_loop3A_187 = tpu.vector_load %arg15[%parallel_loop3A_186] {strides = array<i32>} : memref<6400xf32, #tpu.memory_space<vmem>>, vector<16xf32>,
        tpu.vector_store %arg15[%parallel_loop3A_186], %broadcast_in_dim3A_7 {strides = array<i32>} : memref<6400xf32, #tpu.memory_space<vmem>>, vector<16xf32>,
      } {sc.loop_unroll_factor = 4 : i64, sc.parallel_access}
      "tpu.region"() ({
        %run_scoped3A = tpu.sem_alloc : memref<!tpu.dma_semaphore, #tpu.memory_space<semaphore_mem>>
        %dma_start3A_183 = tpu.memref_slice %arg20[%mul3A_2] : memref<102400xf32, #tpu.memory_space<vmem_shared>> -> memref<6400xf32, #tpu.memory_space<vmem_shared>>
        %dma_start3A_184 = tpu.memref_slice %arg20[%mul3A_2] : memref<102400xf32, #tpu.memory_space<vmem_shared>> -> memref<6400xf32, #tpu.memory_space<vmem_shared>>
        tpu.enqueue_dma source(%arg15 : memref<6400xf32, #tpu.memory_space<vmem>>) target(%dma_start3A_184 : memref<6400xf32, #tpu.memory_space<vmem_shared>>) target_semaphore(%run_scoped3A : memref<!tpu.dma_semaphore, #tpu.memory_space<semaphore_mem>>)
        %dma_wait3A_185 = tpu.memref_slice %arg20[%mul3A_2] : memref<102400xf32, #tpu.memory_space<vmem_shared>> -> memref<6400xf32, #tpu.memory_space<vmem_shared>>
        %dma_wait3A_186 = tpu.memref_slice %arg20[%mul3A_2] : memref<102400xf32, #tpu.memory_space<vmem_shared>> -> memref<6400xf32, #tpu.memory_space<vmem_shared>>
        tpu.wait_dma2 semaphore(%run_scoped3A : memref<!tpu.dma_semaphore, #tpu.memory_space<semaphore_mem>>) src(%arg15 : memref<6400xf32, #tpu.memory_space<vmem>>) dst(%dma_wait3A_186 : memref<6400xf32, #tpu.memory_space<vmem_shared>>)
        tpu.yield
      }) : () -> ()
      %mul3A_168 = arith.constant 2 : i32
      %mul3A_169 = arith.muli %mul3A_168, %scan3A_93 : i32
      %add3A_170 = arith.constant 4 : i32
      %add3A_171 = arith.addi %add3A_170, %mul3A_169 : i32
      %broadcast_in_dim3A_172 = arith.constant 0 : i32
      %broadcast_in_dim3A_173 = vector.broadcast %broadcast_in_dim3A_172 : i32 to vector<16xi32>
      %add3A_174 = vector.broadcast %add3A_171 : i32 to vector<16xi32>
      %add3A_175 = arith.addi %broadcast_in_dim3A_173, %add3A_174 : vector<16xi32>
      %swap3A_176 = arith.constant 0 : index
      %swap3A_177 = tpu.vector_load %arg18[%swap3A_176] {strides = array<i32>} : memref<16xi32, #tpu.memory_space<vmem>>, vector<16xi32>,
      tpu.vector_store %arg18[%swap3A_176], %add3A_175 {strides = array<i32>} : memref<16xi32, #tpu.memory_space<vmem>>, vector<16xi32>,
      %mul3A_178 = arith.constant 16 : i32
      %mul3A_179 = arith.muli %add3A, %mul3A_178 : i32
      "tpu.region"() ({
        %run_scoped3A = tpu.sem_alloc : memref<!tpu.dma_semaphore, #tpu.memory_space<semaphore_mem>>
        %dma_start3A_183 = tpu.memref_slice %arg4[%mul3A_179] : memref<512xi32, #tpu.memory_space<hbm>> -> memref<16xi32, #tpu.memory_space<hbm>>
        %dma_start3A_184 = tpu.memref_slice %arg4[%mul3A_179] : memref<512xi32, #tpu.memory_space<hbm>> -> memref<16xi32, #tpu.memory_space<hbm>>
        tpu.enqueue_dma source(%arg18 : memref<16xi32, #tpu.memory_space<vmem>>) target(%dma_start3A_184 : memref<16xi32, #tpu.memory_space<hbm>>) target_semaphore(%run_scoped3A : memref<!tpu.dma_semaphore, #tpu.memory_space<semaphore_mem>>)
        %dma_wait3A_185 = tpu.memref_slice %arg4[%mul3A_179] : memref<512xi32, #tpu.memory_space<hbm>> -> memref<16xi32, #tpu.memory_space<hbm>>
        %dma_wait3A_186 = tpu.memref_slice %arg4[%mul3A_179] : memref<512xi32, #tpu.memory_space<hbm>> -> memref<16xi32, #tpu.memory_space<hbm>>
        tpu.wait_dma2 semaphore(%run_scoped3A : memref<!tpu.dma_semaphore, #tpu.memory_space<semaphore_mem>>) src(%arg18 : memref<16xi32, #tpu.memory_space<vmem>>) dst(%dma_wait3A_186 : memref<16xi32, #tpu.memory_space<hbm>>)
        tpu.yield
      }) : () -> ()
      %while3A_180 = arith.constant 0 : i32
      %while3A_181 = scf.while (%while3A_183 = %while3A_180) : (i32) -> i32 {
        %lt3A = arith.cmpi slt, %while3A_183, %add3A_171 : i32
        scf.condition(%lt3A) %while3A_183 : i32
      } do {
      ^bb0(%while3A_183: i32):
        "tpu.region"() ({
          %run_scoped3A = tpu.sem_alloc : memref<!tpu.dma_semaphore, #tpu.memory_space<semaphore_mem>>
          tpu.enqueue_dma source(%arg4 : memref<512xi32, #tpu.memory_space<hbm>>) target(%arg19 : memref<512xi32, #tpu.memory_space<vmem>>) target_semaphore(%run_scoped3A : memref<!tpu.dma_semaphore, #tpu.memory_space<semaphore_mem>>)
          tpu.wait_dma2 semaphore(%run_scoped3A : memref<!tpu.dma_semaphore, #tpu.memory_space<semaphore_mem>>) src(%arg4 : memref<512xi32, #tpu.memory_space<hbm>>) dst(%arg19 : memref<512xi32, #tpu.memory_space<vmem>>)
          tpu.yield
        }) : () -> ()
        %get3A = arith.constant 0 : index
        %get3A_184 = tpu.vector_load %arg19[%get3A] {strides = array<i32>} : memref<512xi32, #tpu.memory_space<vmem>>, vector<16xi32>,
        %get3A_185 = arith.constant 16 : index
        %get3A_186 = tpu.vector_load %arg19[%get3A_185] {strides = array<i32>} : memref<512xi32, #tpu.memory_space<vmem>>, vector<16xi32>,
        %min3A = arith.minsi %get3A_184, %get3A_186 : vector<16xi32>
        %get3A_187 = arith.constant 32 : index
        %get3A_188 = tpu.vector_load %arg19[%get3A_187] {strides = array<i32>} : memref<512xi32, #tpu.memory_space<vmem>>, vector<16xi32>,
        %min3A_189 = arith.minsi %min3A, %get3A_188 : vector<16xi32>
        %get3A_190 = arith.constant 48 : index
        %get3A_191 = tpu.vector_load %arg19[%get3A_190] {strides = array<i32>} : memref<512xi32, #tpu.memory_space<vmem>>, vector<16xi32>,
        %min3A_192 = arith.minsi %min3A_189, %get3A_191 : vector<16xi32>
        %get3A_193 = arith.constant 64 : index
        %get3A_194 = tpu.vector_load %arg19[%get3A_193] {strides = array<i32>} : memref<512xi32, #tpu.memory_space<vmem>>, vector<16xi32>,
        %min3A_195 = arith.minsi %min3A_192, %get3A_194 : vector<16xi32>
        %get3A_196 = arith.constant 80 : index
        %get3A_197 = tpu.vector_load %arg19[%get3A_196] {strides = array<i32>} : memref<512xi32, #tpu.memory_space<vmem>>, vector<16xi32>,
        %min3A_198 = arith.minsi %min3A_195, %get3A_197 : vector<16xi32>
        %get3A_199 = arith.constant 96 : index
        %get3A_200 = tpu.vector_load %arg19[%get3A_199] {strides = array<i32>} : memref<512xi32, #tpu.memory_space<vmem>>, vector<16xi32>,
        %min3A_201 = arith.minsi %min3A_198, %get3A_200 : vector<16xi32>
        %get3A_202 = arith.constant 112 : index
        %get3A_203 = tpu.vector_load %arg19[%get3A_202] {strides = array<i32>} : memref<512xi32, #tpu.memory_space<vmem>>, vector<16xi32>,
        %min3A_204 = arith.minsi %min3A_201, %get3A_203 : vector<16xi32>
        %get3A_205 = arith.constant 128 : index
        %get3A_206 = tpu.vector_load %arg19[%get3A_205] {strides = array<i32>} : memref<512xi32, #tpu.memory_space<vmem>>, vector<16xi32>,
        %min3A_207 = arith.minsi %min3A_204, %get3A_206 : vector<16xi32>
        %get3A_208 = arith.constant 144 : index
        %get3A_209 = tpu.vector_load %arg19[%get3A_208] {strides = array<i32>} : memref<512xi32, #tpu.memory_space<vmem>>, vector<16xi32>,
        %min3A_210 = arith.minsi %min3A_207, %get3A_209 : vector<16xi32>
        %get3A_211 = arith.constant 160 : index
        %get3A_212 = tpu.vector_load %arg19[%get3A_211] {strides = array<i32>} : memref<512xi32, #tpu.memory_space<vmem>>, vector<16xi32>,
        %min3A_213 = arith.minsi %min3A_210, %get3A_212 : vector<16xi32>
        %get3A_214 = arith.constant 176 : index
        %get3A_215 = tpu.vector_load %arg19[%get3A_214] {strides = array<i32>} : memref<512xi32, #tpu.memory_space<vmem>>, vector<16xi32>,
        %min3A_216 = arith.minsi %min3A_213, %get3A_215 : vector<16xi32>
        %get3A_217 = arith.constant 192 : index
        %get3A_218 = tpu.vector_load %arg19[%get3A_217] {strides = array<i32>} : memref<512xi32, #tpu.memory_space<vmem>>, vector<16xi32>,
        %min3A_219 = arith.minsi %min3A_216, %get3A_218 : vector<16xi32>
        %get3A_220 = arith.constant 208 : index
        %get3A_221 = tpu.vector_load %arg19[%get3A_220] {strides = array<i32>} : memref<512xi32, #tpu.memory_space<vmem>>, vector<16xi32>,
        %min3A_222 = arith.minsi %min3A_219, %get3A_221 : vector<16xi32>
        %get3A_223 = arith.constant 224 : index
        %get3A_224 = tpu.vector_load %arg19[%get3A_223] {strides = array<i32>} : memref<512xi32, #tpu.memory_space<vmem>>, vector<16xi32>,
        %min3A_225 = arith.minsi %min3A_222, %get3A_224 : vector<16xi32>
        %get3A_226 = arith.constant 240 : index
        %get3A_227 = tpu.vector_load %arg19[%get3A_226] {strides = array<i32>} : memref<512xi32, #tpu.memory_space<vmem>>, vector<16xi32>,
        %min3A_228 = arith.minsi %min3A_225, %get3A_227 : vector<16xi32>
        %get3A_229 = arith.constant 256 : index
        %get3A_230 = tpu.vector_load %arg19[%get3A_229] {strides = array<i32>} : memref<512xi32, #tpu.memory_space<vmem>>, vector<16xi32>,
        %min3A_231 = arith.minsi %min3A_228, %get3A_230 : vector<16xi32>
        %get3A_232 = arith.constant 272 : index
        %get3A_233 = tpu.vector_load %arg19[%get3A_232] {strides = array<i32>} : memref<512xi32, #tpu.memory_space<vmem>>, vector<16xi32>,
        %min3A_234 = arith.minsi %min3A_231, %get3A_233 : vector<16xi32>
        %get3A_235 = arith.constant 288 : index
        %get3A_236 = tpu.vector_load %arg19[%get3A_235] {strides = array<i32>} : memref<512xi32, #tpu.memory_space<vmem>>, vector<16xi32>,
        %min3A_237 = arith.minsi %min3A_234, %get3A_236 : vector<16xi32>
        %get3A_238 = arith.constant 304 : index
        %get3A_239 = tpu.vector_load %arg19[%get3A_238] {strides = array<i32>} : memref<512xi32, #tpu.memory_space<vmem>>, vector<16xi32>,
        %min3A_240 = arith.minsi %min3A_237, %get3A_239 : vector<16xi32>
        %get3A_241 = arith.constant 320 : index
        %get3A_242 = tpu.vector_load %arg19[%get3A_241] {strides = array<i32>} : memref<512xi32, #tpu.memory_space<vmem>>, vector<16xi32>,
        %min3A_243 = arith.minsi %min3A_240, %get3A_242 : vector<16xi32>
        %get3A_244 = arith.constant 336 : index
        %get3A_245 = tpu.vector_load %arg19[%get3A_244] {strides = array<i32>} : memref<512xi32, #tpu.memory_space<vmem>>, vector<16xi32>,
        %min3A_246 = arith.minsi %min3A_243, %get3A_245 : vector<16xi32>
        %get3A_247 = arith.constant 352 : index
        %get3A_248 = tpu.vector_load %arg19[%get3A_247] {strides = array<i32>} : memref<512xi32, #tpu.memory_space<vmem>>, vector<16xi32>,
        %min3A_249 = arith.minsi %min3A_246, %get3A_248 : vector<16xi32>
        %get3A_250 = arith.constant 368 : index
        %get3A_251 = tpu.vector_load %arg19[%get3A_250] {strides = array<i32>} : memref<512xi32, #tpu.memory_space<vmem>>, vector<16xi32>,
        %min3A_252 = arith.minsi %min3A_249, %get3A_251 : vector<16xi32>
        %get3A_253 = arith.constant 384 : index
        %get3A_254 = tpu.vector_load %arg19[%get3A_253] {strides = array<i32>} : memref<512xi32, #tpu.memory_space<vmem>>, vector<16xi32>,
        %min3A_255 = arith.minsi %min3A_252, %get3A_254 : vector<16xi32>
        %get3A_256 = arith.constant 400 : index
        %get3A_257 = tpu.vector_load %arg19[%get3A_256] {strides = array<i32>} : memref<512xi32, #tpu.memory_space<vmem>>, vector<16xi32>,
        %min3A_258 = arith.minsi %min3A_255, %get3A_257 : vector<16xi32>
        %get3A_259 = arith.constant 416 : index
        %get3A_260 = tpu.vector_load %arg19[%get3A_259] {strides = array<i32>} : memref<512xi32, #tpu.memory_space<vmem>>, vector<16xi32>,
        %min3A_261 = arith.minsi %min3A_258, %get3A_260 : vector<16xi32>
        %get3A_262 = arith.constant 432 : index
        %get3A_263 = tpu.vector_load %arg19[%get3A_262] {strides = array<i32>} : memref<512xi32, #tpu.memory_space<vmem>>, vector<16xi32>,
        %min3A_264 = arith.minsi %min3A_261, %get3A_263 : vector<16xi32>
        %get3A_265 = arith.constant 448 : index
        %get3A_266 = tpu.vector_load %arg19[%get3A_265] {strides = array<i32>} : memref<512xi32, #tpu.memory_space<vmem>>, vector<16xi32>,
        %min3A_267 = arith.minsi %min3A_264, %get3A_266 : vector<16xi32>
        %get3A_268 = arith.constant 464 : index
        %get3A_269 = tpu.vector_load %arg19[%get3A_268] {strides = array<i32>} : memref<512xi32, #tpu.memory_space<vmem>>, vector<16xi32>,
        %min3A_270 = arith.minsi %min3A_267, %get3A_269 : vector<16xi32>
        %get3A_271 = arith.constant 480 : index
        %get3A_272 = tpu.vector_load %arg19[%get3A_271] {strides = array<i32>} : memref<512xi32, #tpu.memory_space<vmem>>, vector<16xi32>,
        %min3A_273 = arith.minsi %min3A_270, %get3A_272 : vector<16xi32>
        %get3A_274 = arith.constant 496 : index
        %get3A_275 = tpu.vector_load %arg19[%get3A_274] {strides = array<i32>} : memref<512xi32, #tpu.memory_space<vmem>>, vector<16xi32>,
        %min3A_276 = arith.minsi %min3A_273, %get3A_275 : vector<16xi32>
        %reduce_min3A = arith.constant true
        %reduce_min3A_277 = vector.broadcast %reduce_min3A : i1 to vector<16xi1>
        %reduce_min3A_278 = arith.constant -2147483648 : i32
        %reduce_min3A_279 = vector.broadcast %reduce_min3A_278 : i32 to vector<16xi32>
        %reduce_min3A_280 = arith.xori %min3A_276, %reduce_min3A_279 : vector<16xi32>
        %reduce_min3A_281 = tpu.scan <min>, %reduce_min3A_280 masked %reduce_min3A_277 : vector<16xi32>, vector<16xi1> -> vector<16xi32>
        %reduce_min3A_282 = arith.xori %reduce_min3A_281, %reduce_min3A_279 : vector<16xi32>
        %reduce_min3A_283 = vector.extract %reduce_min3A_282[15] : i32 from vector<16xi32>
        scf.yield %reduce_min3A_283 : i32
      }
      "tpu.region"() ({
        %run_scoped3A = tpu.sem_alloc : memref<!tpu.dma_semaphore, #tpu.memory_space<semaphore_mem>>
        tpu.enqueue_dma source(%arg6 : memref<102400xf32, #tpu.memory_space<hbm>>) target(%arg8 : memref<102400xf32, #tpu.memory_space<vmem>>) target_semaphore(%run_scoped3A : memref<!tpu.dma_semaphore, #tpu.memory_space<semaphore_mem>>)
        tpu.wait_dma2 semaphore(%run_scoped3A : memref<!tpu.dma_semaphore, #tpu.memory_space<semaphore_mem>>) src(%arg6 : memref<102400xf32, #tpu.memory_space<hbm>>) dst(%arg8 : memref<102400xf32, #tpu.memory_space<vmem>>)
        tpu.yield
      }) : () -> ()
      %scan3A_182 = arith.constant 0 : i32
      scf.yield %scan3A_182 : i32
    }
    %scan3A_92 = arith.constant 15 : i32
    return
  }
}

module attributes {stable_mosaic.version = 14 : i64} {
  func.func @_zeroflags_body(%arg0: memref<1x512xi32, #tpu.memory_space<vmem>>) attributes {dimension_semantics = [], scalar_prefetch = 0 : i64, scratch_operands = 0 : i64, tpu.core_type = #tpu.core_type<tc>} {
    %broadcast_in_dim3A = arith.constant 0 : i32
    %broadcast_in_dim3A_0 = vector.broadcast %broadcast_in_dim3A : i32 to vector<1x512xi32>
    %swap3A = arith.constant 0 : index
    %swap3A_1 = arith.constant 0 : index
    %swap3A_2 = vector.load %arg0[%swap3A, %swap3A_1] : memref<1x512xi32, #tpu.memory_space<vmem>>, vector<1x512xi32>
    tpu.vector_store %arg0[%swap3A, %swap3A_1], %broadcast_in_dim3A_0 {strides = array<i32>} : memref<1x512xi32, #tpu.memory_space<vmem>>, vector<1x512xi32>,
    return
  }
}

module attributes {stable_mosaic.version = 14 : i64} {
  func.func @_linear_body(%arg0: i32, %arg1: memref<16x2048xf32, #tpu.memory_space<vmem>>, %arg2: memref<16x16xf32, #tpu.memory_space<vmem>>, %arg3: memref<1x16xf32, #tpu.memory_space<vmem>>, %arg4: memref<2048x16xf32, #tpu.memory_space<vmem>>) attributes {dimension_semantics = [#tpu.dimension_semantics<arbitrary>], iteration_bounds = array<i64: 50>, scalar_prefetch = 0 : i64, scratch_operands = 0 : i64, tpu.core_type = #tpu.core_type<tc>, window_params = [{transform_indices = @transform_0, window_bounds = array<i64: 16, 2048>}, {pipeline_mode = #tpu.pipeline_mode<synchronous>, transform_indices = @transform_1, window_bounds = array<i64: 16, 16>}, {pipeline_mode = #tpu.pipeline_mode<synchronous>, transform_indices = @transform_2, window_bounds = array<i64: 1, 16>}, {transform_indices = @transform_3, window_bounds = array<i64: 2048, 16>}]} {
    %get3A = arith.constant 0 : index
    %get3A_0 = arith.constant 0 : index
    %get3A_1 = vector.load %arg1[%get3A, %get3A_0] : memref<16x2048xf32, #tpu.memory_space<vmem>>, vector<16x2048xf32>
    %get3A_2 = arith.constant 0 : index
    %get3A_3 = arith.constant 0 : index
    %get3A_4 = vector.load %arg2[%get3A_2, %get3A_3] : memref<16x16xf32, #tpu.memory_space<vmem>>, vector<16x16xf32>
    %dot_general3A = arith.constant dense<0.000000e+00> : vector<2048x16xf32>
    %dot_general3A_5 = tpu.matmul %get3A_1, %get3A_4, %dot_general3A {dimension_numbers = #tpu.dot_dimension_numbers<[0], [1], [1], [0], [0, 1, 1, 0], [], []>, transpose_lhs_hint = false} : vector<16x2048xf32>, vector<16x16xf32>, vector<2048x16xf32> -> vector<2048x16xf32>
    %get3A_6 = arith.constant 0 : index
    %get3A_7 = arith.constant 0 : index
    %get3A_8 = vector.load %arg3[%get3A_6, %get3A_7] : memref<1x16xf32, #tpu.memory_space<vmem>>, vector<1x16xf32>
    %add3A = vector.broadcast %get3A_8 : vector<1x16xf32> to vector<2048x16xf32>
    %add3A_9 = arith.addf %dot_general3A_5, %add3A : vector<2048x16xf32>
    %swap3A = arith.constant 0 : index
    %swap3A_10 = arith.constant 0 : index
    %swap3A_11 = vector.load %arg4[%swap3A, %swap3A_10] : memref<2048x16xf32, #tpu.memory_space<vmem>>, vector<2048x16xf32>
    tpu.vector_store %arg4[%swap3A, %swap3A_10], %add3A_9 {strides = array<i32>} : memref<2048x16xf32, #tpu.memory_space<vmem>>, vector<2048x16xf32>,
    return
  }
  func.func @transform_0(%arg0: i32) -> (i32, i32) {
    %c0_i32 = arith.constant 0 : i32
    %c0_i32_0 = arith.constant 0 : i32
    return %c0_i32, %arg0 : i32, i32
  }
  func.func @transform_1(%arg0: i32) -> (i32, i32) {
    %c0_i32 = arith.constant 0 : i32
    %c0_i32_0 = arith.constant 0 : i32
    %c0_i32_1 = arith.constant 0 : i32
    return %c0_i32, %c0_i32_0 : i32, i32
  }
  func.func @transform_2(%arg0: i32) -> (i32, i32) {
    %c0_i32 = arith.constant 0 : i32
    %c0_i32_0 = arith.constant 0 : i32
    %c0_i32_1 = arith.constant 0 : i32
    return %c0_i32, %c0_i32_0 : i32, i32
  }
  func.func @transform_3(%arg0: i32) -> (i32, i32) {
    %c0_i32 = arith.constant 0 : i32
    %c0_i32_0 = arith.constant 0 : i32
    return %arg0, %c0_i32 : i32, i32
  }
}

</mosaic_0001>

<sc_bundles>
// kernel: kernel.5.cloned.1.call-start
scs
__scs_entry_jumppad:
0x0: {  	(pc) =	sbr.rel $0x88, $3  }
0x1: {  	(tag) =	ssettag $0x0;
	lr =	simm.s32 $0x1  }
0x2: {  	[smem:$0x3F9E] =	sst lr;
	_ =	strace $0xD0000000  }
0x3: {  	_ = 	snop  }
0x4: {  	_ = 	snop  }
0x5: {  	_ = 	snop  }
0x6: {  	_ = 	snop  }
0x7: {  	_ = 	snop  }
__scs_overlays_trampoline_lowered:
0x8: {  	[smem:$0x3FAD] =	sst s0  }
0x9: {  	[smem:$0x3FAE] =	sst s1  }
0xa: {  	[smem:$0x3FAF] =	sst s2  }
0xb: {  	[smem:$0x3FB0] =	sst s3  }
0xc: {  	[smem:$0x3FB1] =	sst s4  }
0xd: {  	[smem:$0x3FB2] =	sst s5  }
0xe: {  	[smem:$0x3FB3] =	sst s6  }
0xf: {  	[smem:$0x3FB4] =	sst s7  }
0x10: {  	[smem:$0x3FB5] =	sst s8  }
0x11: {  	[smem:$0x3FB6] =	sst s9;
	s0 =	simm.s32 @!p0 $0x0  }
0x12: {  	s1 =	sld [smem:$0x3F9C];
	s0 =	simm.s32 @p0 $0x1  }
0x13: {  	[smem:$0x3FB7] =	sst s0;
	s0 =	simm.s32 @!p1 $0x0  }
0x14: {  	s2 =	sld [smem:$0x3F9B];
	s0 =	simm.s32 @p1 $0x1  }
0x15: {  	[smem:$0x3FB8] =	sst s0;
	s0 =	simm.s32 @!p2 $0x0  }
0x16: {  	s3 =	sld [smem:$0x3FDB];
	s0 =	simm.s32 @p2 $0x1  }
0x17: {  	s4 =	simm.s32 $0x1BF5;
	[smem:$0x3FBA] =	sst s0  }
0x18: {  	s0 =	sld [smem:$0x3F9D];
	_ =	swait.ge [sflag:s4], $0x0  }
0x19: {  	s7 =	sld [smem:$0x3F9E]  }
0x1a: {  	s8 =	sadd.s32 $0xFFFFE003, lr  }
0x1b: {  	s9 =	sadd.s32 $0xFFFFFEF7, lr;
	s5 =	simm.s32 $0xFFFFFFFF;
	p2 =	slt.u32 s8, $0xFFFFF086  }
0x1c: {  	p1 =	slt.u32 s9, $0xF7A;
	s5 =	simm.s32 @!p2 $0x0  }
0x1d: {  	s5 =	simm.s32 @p1 $0x1;
	p0 =	seq.s32 s7, s2  }
0x1e: {  	s7 =	smul.u32 @!p0 $0xF7A, s2;
	p2 =	seq.s32 @!p0 s5, $0x0  }
0x1f: {  	s9 =	smul.u32 $0xF7A, s1;
	s8 =	simm.s32 @!p0 $0x1BF5;
	p2 =	por !p2, p0  }
0x20: {  	[sflag:s8] =	ssyncset.s32 @!p0 $0xFFFFF086;
	s6 =	sadd.s32 @!p0 s3, s7;
	s7 =	simm.s32 @!p0 $0x108  }
0x21: {  	s3 =	sadd.s32 s3, s9;
	s6 =	sadd.s32 @!p0 $0x88, s6;
	s7 =	simm.s32 @p2 $0x1082  }
0x22: {  	[simem:s7], [sflag:s8] =	dma.local @!p0 [hbm:s6], $0xF7A  }
0x23: {  	s9 =	sor.u32 $0xD0000000, s2;
	s6 =	simm.s32 $0x108;
	_ =	swait.ge @!p0 [sflag:s8], $0x0  }
0x24: {  	s3 =	sadd.s32 $0x88, s3;
	s6 =	simm.s32 @!p1 $0x1082;
	[sflag:s4] =	ssyncset.s32 $0xFFFFF086  }
0x25: {  	[simem:s6], [sflag:s4] =	dma.local [hbm:s3], $0xF7A  }
0x26: {  	[smem:$0x3F9E] =	sst s1;
	(tag) =	ssettag s2;
	_ =	strace s9  }
0x27: {  	s1 =	sld [smem:$0x3FAE]  }
0x28: {  	s2 =	sld [smem:$0x3FAF]  }
0x29: {  	s4 =	sld [smem:$0x3FB1]  }
0x2a: {  	p0 =	seq.s32 s5, $0x0;
	s5 =	sld [smem:$0x3FB2]  }
0x2b: {  	s6 =	sld [smem:$0x3FB3]  }
0x2c: {  	s7 =	sld [smem:$0x3FB4]  }
0x2d: {  	s3 =	simm.s32 $0x108;
	s8 =	sld [smem:$0x3FB5]  }
0x2e: {  	s3 =	simm.s32 @!p0 $0x1082;
	s9 =	sld [smem:$0x3FB6]  }
0x2f: {  	lr =	sadd.s32 s0, s3;
	s0 =	sld [smem:$0x3FAD]  }
0x30: {  	s3 =	sld [smem:$0x3FB0]  }
0x31: {  	[smem:$0x3FB9] =	sst s10  }
0x32: {  	s10 =	sld [smem:$0x3FB7];
	_ =	sdelay $0x3  }
0x33: {  	p0 =	seq.s32 s10, $0x1;
	s10 =	sld [smem:$0x3FB9];
	_ =	sdelay $0x3  }
0x34: {  	[smem:$0x3FB9] =	sst s10  }
0x35: {  	s10 =	sld [smem:$0x3FB8];
	_ =	sdelay $0x3  }
0x36: {  	p1 =	seq.s32 s10, $0x1;
	s10 =	sld [smem:$0x3FB9];
	_ =	sdelay $0x3  }
0x37: {  	[smem:$0x3FB9] =	sst s10  }
0x38: {  	s10 =	sld [smem:$0x3FBA]  }
0x39: {  	_ = 	snop;
	(pc) =	sbr.ind lr, $3  }
0x3a: {  	_ = 	snop  }
0x3b: {  	_ = 	snop  }
0x3c: {  	p2 =	seq.s32 s10, $0x1;
	s10 =	sld [smem:$0x3FB9]  }
0x3d: {  	_ =	shalt  }
0x3e: {  	_ =	shalt  }
0x3f: {  	_ =	shalt  }
0x40: {  	_ =	shalt  }
0x41: {  	_ =	shalt  }
0x42: {  	_ =	shalt  }
0x43: {  	_ =	shalt  }
0x44: {  	_ =	shalt  }
0x45: {  	_ =	shalt  }
0x46: {  	_ =	shalt  }
0x47: {  	_ =	shalt  }
0x48: {  	_ =	shalt  }
0x49: {  	_ =	shalt  }
0x4a: {  	_ =	shalt  }
0x4b: {  	_ =	shalt  }
0x4c: {  	_ =	shalt  }
0x4d: {  	_ =	shalt  }
0x4e: {  	_ =	shalt  }
0x4f: {  	_ =	shalt  }
0x50: {  	_ =	shalt  }
0x51: {  	_ =	shalt  }
0x52: {  	_ =	shalt  }
0x53: {  	_ =	shalt  }
0x54: {  	_ =	shalt  }
0x55: {  	_ =	shalt  }
0x56: {  	_ =	shalt  }
0x57: {  	_ =	shalt  }
0x58: {  	_ =	shalt  }
0x59: {  	_ =	shalt  }
0x5a: {  	_ =	shalt  }
0x5b: {  	_ =	shalt  }
0x5c: {  	_ =	shalt  }
0x5d: {  	_ =	shalt  }
0x5e: {  	_ =	shalt  }
0x5f: {  	_ =	shalt  }
0x60: {  	_ =	shalt  }
0x61: {  	_ =	shalt  }
0x62: {  	_ =	shalt  }
0x63: {  	_ =	shalt  }
0x64: {  	_ =	shalt  }
0x65: {  	_ =	shalt  }
0x66: {  	_ =	shalt  }
0x67: {  	_ =	shalt  }
0x68: {  	_ =	shalt  }
0x69: {  	_ =	shalt  }
0x6a: {  	_ =	shalt  }
0x6b: {  	_ =	shalt  }
0x6c: {  	_ =	shalt  }
0x6d: {  	_ =	shalt  }
0x6e: {  	_ =	shalt  }
0x6f: {  	_ =	shalt  }
0x70: {  	_ =	shalt  }
0x71: {  	_ =	shalt  }
0x72: {  	_ =	shalt  }
0x73: {  	_ =	shalt  }
0x74: {  	_ =	shalt  }
0x75: {  	_ =	shalt  }
0x76: {  	_ =	shalt  }
0x77: {  	_ =	shalt  }
0x78: {  	_ =	shalt  }
0x79: {  	_ =	shalt  }
0x7a: {  	_ =	shalt  }
0x7b: {  	_ =	shalt  }
0x7c: {  	_ =	shalt  }
0x7d: {  	_ =	shalt  }
0x7e: {  	_ =	shalt  }
0x7f: {  	_ =	shalt  }
0x80: {  	_ =	shalt  }
0x81: {  	_ =	shalt  }
0x82: {  	_ =	shalt  }
0x83: {  	_ =	shalt  }
0x84: {  	_ =	shalt  }
0x85: {  	_ =	shalt  }
0x86: {  	_ =	shalt  }
0x87: {  	_ =	shalt  }
.Lfunc_end0:
.L_simem_size_0:
called_computation_lowered:
.L_overlay_start_0:
0x88: {  	s2 =	sld [smem:$0x3FD9]  }
0x89: {  	s3 =	sld [smem:$0x3FFE];
	_ =	sdelay $0x1  }
0x8a: {  	s1 =	srdreg.scid  }
0x8b: {  	s0 =	sand.u32 $0x1, s1  }
0x8c: {  	s17 =	sshll.u32 s0, $0xA;
	s2 =	sadd.s32 s3, s2  }
0x8d: {  	s2 =	sadd.s32 s2, s17  }
0x8e: {  	[smem:$0x3FC5] =	sst s2  }
0x8f: {  	_ = 	snop  }
0x90: {  	s2 =	sld [smem:$0x3FD0];
	(tm) =	ssettm $0x1  }
0x91: {  	s18 =	sld [smem:$0x3FFB];
	_ =	sdelay $0x3  }
0x92: {  	_ =	strace s18  }
0x93: {  	s3 =	sld [smem:$0x3FFC];
	_ =	sdelay $0x3  }
0x94: {  	_ =	strace s3  }
0x95: {  	s3 =	sld [smem:$0x3FFD];
	_ =	sdelay $0x3  }
0x96: {  	_ =	strace s3  }
0x97: {  	_ =	strace $0x8FFFFFFF  }
0x98: {  	s19 =	sld [smem:$0x3FDB];
	_ =	sdelay $0x1  }
0x99: {  	s4 =	simm.s32 $_scs_section_size  }
0x9a: {  	s5 =	simm.s32 $_size__tile_overlayer_lowered;
	s6 =	simm.s32 $_tile_overlayer_lowered  }
0x9b: {  	s22 =	simm.s32 $0x1BFF;
	s21 =	sshll.u32 s6, $0x1;
	s3 =	sadd.s32 s4, s19  }
0x9c: {  	s7 =	simm.s32 $0x0;
	s20 =	sshll.u32 s5, $0x1;
	s5 =	sadd.s32 s21, s3  }
0x9d: {  	[timem:s7], [sflag:s22] =	dma.local [hbm:s5], s20  }
0x9e: {  	_ =	swait.ge [sflag:s22], s20  }
0x9f: {  	s4 =	ssub.s32 $0x0, s20;
	[sflag:s22] =	ssyncset.done $0x0  }
0xa0: {  	[sflag:s22] =	ssyncadd.s32 s4;
	_ =	sdelay $0x1  }
0xa1: {  	s23 =	simm.s32 $0x1B8B  }
0xa2: {  	_ =	swait.ge [sflag:s23], $0x1  }
0xa3: {  	[sflag:s23] =	ssyncset.done $0x0  }
0xa4: {  	s25 =	simm.s32 $0x1B8E;
	s24 =	sld [smem:$0x3FFE];
	[sflag:s23] =	ssyncadd.s32 $0xFFFFFFFF  }
0xa5: {  	s26 =	simm.s32 $execute0_lowered;
	[smem:$0x3FD2] =	sst s25  }
0xa6: {  	s5 =	sshll.u32 s26, $0x1;
	_ =	strace $0x80000046;
	[dreg:$0x1] =	wrdreg $0xFFFFFFFF  }
0xa7: {  	s28 =	simm.s32 $_size_execute0_lowered;
	s3 =	sadd.s32 s3, s5;
	[dreg:$0x0] =	wrdreg $0x0  }
0xa8: {  	s5 =	sshll.u32 s28, $0x1;
	[dreg:$0x2] =	wrdreg s3  }
0xa9: {  	[dreg:$0x3] =	wrdreg s5  }
0xaa: {  	[dreg:$0x4] =	wrdreg $0xC0  }
0xab: {  	_ =	task [dreg:s7], $0x5FFFF  }
0xac: {  	[dreg:$0x1] =	wrdreg $0xFFFFFFFF  }
0xad: {  	[dreg:$0x0] =	wrdreg $0x60  }
0xae: {  	[dreg:$0x2] =	wrdreg s24  }
0xaf: {  	[dreg:$0x3] =	wrdreg s2  }
0xb0: {  	[dreg:$0x4] =	wrdreg $0x1DC800  }
0xb1: {  	[dreg:$0x5] =	wrdreg $0x9  }
0xb2: {  	_ =	task.clear_ibuf [dreg:s7], $0x6FFFF;
	_ =	strace $0x90000046  }
0xb3: {  	s29 =	simm.s32 $0x9;
	_ =	strace $0x80000048  }
0xb4: {  	_ =	swait.ge [sflag:s29], $0x1  }
0xb5: {  	[sflag:s29] =	ssyncadd.s32 $0xFFFFFFFF  }
0xb6: {  	_ =	strace $0x90000048  }
0xb7: {  	_ =	sfence  }
0xb8: {  	s30 =	sld [smem:$0x0];
	_ =	sdelay $0x2  }
0xb9: {  	s31 =	sshll.u32 s1, $0xD;
	s1 =	sshrl.u32 s1, $0x2  }
0xba: {  	s3 =	sand.u32 $0x4000, s31;
	s1 =	sadd.s32 s1, s30  }
0xbb: {  	s0 =	sor.u32 s3, s0;
	s1 =	sshll.u32 s1, $0x11  }
0xbc: {  	s0 =	sor.u32 s1, s0  }
0xbd: {  	s0 =	sadd.s32 $0x8F2B, s0  }
0xbe: {  	[sflag:s0] =	ssyncadd.remote.s32 $0x1  }
0xbf: {  	_ =	sfence.sel $0xFFFF  }
0xc0: {  	[dreg:$0x0] =	wrdreg $0xFFFFFFFF;
	(pc) =	sbr.abs _section_cstart, $3  }
0xc1: {  	[dreg:$0x1] =	wrdreg $0xFFFFFFFF  }
0xc2: {  	_ =	task.clear_ibuf [dreg:s7], $0x2FFFF;
	_ =	strace $0x9FFFFFFF  }
0xc3: {  	(tm) =	ssettm $0x7FFFFFFF  }
tec
execute0_lowered:
.L_overlay_start_1:
0x0: {  	(tag) =	ssettag $0x1  }
0x1: {  	s0 =	rddreg [dreg:$0x0]  }
0x2: {  	s3 =	rddreg [dreg:$0x1]  }
0x3: {  	s1 =	rddreg [dreg:$0x2];
	s2 =	simm.s32 $0x0  }
0x4: {  	s6 =	srdreg.scid;
	s16 =	stileid.u32;
	s28 =	simm.s32 $0x400  }
0x5: {  	s29 =	simm.s32 $0x1A000;
	s30 =	simm.s32 $0x1A400;
	s31 =	simm.s32 $0x19400  }
0x6: {  	[smem:$0x7FF] =	sst s2;
	s4 =	sadd.s32 $0x1200, s0;
	s5 =	sadd.s32 $0x63400, s0  }
0x7: {  	s7 =	sand.u32 $0x1, s6;
	s6 =	sadd.s32 $0x1000, s0;
	s10 =	smul.u32 $0x1900, s16  }
0x8: {  	s17 =	sadd.s32 $0xC8800, s0;
	s18 =	sadd.s32 $0xC5600, s0;
	s15 =	smul.u32 $0x18800, s16  }
0x9: {  	_ =	strace $0x80000047;
	s8 =	sshll.u32 s7, $0x4;
	s23 =	smul.u32 $0x19000, s7  }
0xa: {  	s9 =	ssub.s32 $0x2, s7;
	s26 =	smul.u32 $0x188000, s7;
	[dreg:$0x4] =	wrdreg s17  }
0xb: {  	[dreg:$0x5] =	wrdreg s18;
	s7 =	smul.u32 $0xC800, s7;
	s8 =	sor.u32 s16, s8  }
0xc: {  	s11 =	sshrl.u32 s9, $0x1;
	s24 =	sadd.s32 s10, s1;
	s13 =	smul.u32 $0x18800, s8  }
0xd: {  	s0 =	ssub.s32 s9, s11;
	s14 =	smul.u32 $0xC80, s8;
	[dreg:$0x7] =	wrdreg s24  }
0xe: {  	s9 =	sadd.s32 s10, s23;
	s8 =	sshll.u32 s8, $0x1;
	s21 =	sadd.s32 s15, s26  }
0xf: {  	s10 =	simm.s32 $0x0;
	s9 =	sshrl.u32 s9, $0x3;
	s20 =	sadd.s32 s6, s8  }
0x10: {  	s23 =	sor.u32 $0x400, s21;
	s0 =	smax.u32 s0, $0x1;
	s26 =	sadd.s32 $0x800, s21  }
0x11: {  	s21 =	simm.s32 $0x2;
	s25 =	sshrl.u32 s13, $0x3;
	[dreg:$0x6] =	wrdreg s14  }
0x12: {  	s14 =	sshrl.u32 s14, $0x3;
	s9 =	sadd.s32 s3, s9;
	[dreg:$0x10] =	wrdreg s0  }
0x13: {  	s8 =	sshrl.u32 s23, $0x3;
	[dreg:$0x11] =	wrdreg s26;
	s23 =	simm.s32 $0x1A800  }
0x14: {  	s26 =	simm.s32 $0x5;
	s0 =	simm.s32 $0x1;
	[dreg:$0xa] =	wrdreg s20  }
0x15: {  	s12 =	sadd.s32 s5, s25;
	[dreg:$0x9] =	wrdreg s9;
	s3 =	sadd.s32 s3, s14  }
0x16: {  	s19 =	sadd.s32 s17, s14;
	s22 =	sadd.s32 s18, s14;
	[dreg:$0x8] =	wrdreg s12  }
0x17: {  	s24 =	sadd.s32 s4, s25;
	s25 =	smul.u32 $0xC80, s16;
	[dreg:$0xb] =	wrdreg s3  }
0x18: {  	s8 =	sadd.s32 s8, s5;
	s18 =	simm.s32 $0x19800;
	[dreg:$0xd] =	wrdreg s19  }
0x19: {  	s16 =	simm.s32 $0x1DA00;
	s9 =	simm.s32 $0x1DA80;
	[dreg:$0xe] =	wrdreg s22  }
0x1a: {  	s12 =	sor.u32 $0x400, s13;
	s13 =	sadd.s32 $0x800, s13;
	[dreg:$0xf] =	wrdreg s24  }
0x1b: {  	v0 =	vimm.f32 $0.0e+00;
	v1 =	vimm.s32 $0x18FFF;
	v2 =	vimm.f32 $1.000000000e+00;
	s3 =	sadd.s32 $0x3200, s3;
	s22 =	simm.s32 $0x3;
	[dreg:$0x12] =	wrdreg s8  }
0x1c: {  	v3 =	vimm.s32 $0x1;
	v4 =	vimm.f32 $9.999999740e-06;
	v5 =	vimm.s32 $0x2;
	[dreg:$0xc] =	wrdreg s3;
	s24 =	sadd.s32 s25, s7;
	s3 =	simm.s32 $0x4  }
.LBB2_1:
0x1d: {  	[dreg:$0x13] =	wrdreg s10;
	s7 =	simm.s32 $0x1A820  }
0x1e: {  	[tilespmem:s7+$0xFFFFFFE0] =	vst v0  }
0x1f: {  	[tilespmem:s7+$0x10] =	vst v0  }
0x20: {  	s10 =	simm.s32 $0x0;
	[tilespmem:s7+$0x0] =	vst v0  }
.LBB2_2:
0x21: {  	s10 =	sadd.s32 $0x4, s10  }
0x22: {  	[tilespmem:s7+$0xFFFFFFF0] =	vst v0;
	s7 =	sadd.s32 $0x40, s7;
	p0 =	slt.u32 s10, $0x18C  }
.Ltmp0:
0x23: {  	[tilespmem:s7+$0xFFFFFFE0] =	vst v0;
	(pc) =	sbr.rel @p0 .LBB2_2-.Ltmp0, $3  }
0x24: {  	_ =	sdelay $0x1  }
0x25: {  	[tilespmem:s7+$0x10] =	vst v0  }
0x26: {  	[tilespmem:s7+$0x0] =	vst v0  }
0x27: {  	[tilespmem:s7+$0xFFFFFFF0] =	vst v0  }
0x28: {  	s7 =	rddreg [dreg:$0x7]  }
0x29: {  	[spmem:s7] =	stream.linear.scatter [tilespmem:s23], [sflag:$0x5], $0x1900, $0x38;
	[tilespmem:$0x1F580] =	vst v63  }
0x2a: {  	_ =	swait.ge [sflag:s26], $0x1900  }
0x2b: {  	[sflag:s26] =	ssyncset.done $0x0  }
0x2c: {  	[sflag:s26] =	ssyncadd.s32 $0xFFFFE700  }
0x2d: {  	s10 =	simm.s32 $0x0;
	s7 =	simm.s32 $0x40;
	[bflag:$0x0] =	sbarrier.arrive $0xFFFF  }
.LBB2_4:
0x2e: {  	p0 =	sne.s32 s7, $0xFC0;
	[tilespmem:s10+$0x1A000] =	vst v1;
	s10 =	smov.u32 s7;
	s7 =	sadd.s32 $0x40, s7  }
.Ltmp1:
0x2f: {  	(pc) =	sbr.rel @p0 .LBB2_4-.Ltmp1, $2  }
0x30: {  	_ =	sdelay $0x2  }
0x31: {  	s10 =	sshra.s32 s10, $0x2  }
0x32: {  	[tilespmem:s10+$0x1A000] =	vst v1  }
0x33: {  	[spmem:s1] =	stream.indirect.scatter.add.f32 [tilespmem:s30], [sflag:$0x4], $0x1, s29, s28, $0xb8;
	[tilespmem:$0x1F580] =	vst v63  }
0x34: {  	s7 =	simm.s32 $0x0;
	s8 =	rddreg [dreg:$0x8]  }
0x35: {  	[tilespmem:s31], [sflag:$0x1] =	stream.linear.gather [hbm4b:s8+s7], $0x400, $0x38;
	[tilespmem:$0x1F580] =	vst v63  }
0x36: {  	s10 =	simm.s32 $0x0;
	s7 =	simm.s32 $0x40  }
.LBB2_6:
0x37: {  	p0 =	sne.s32 s7, $0xFC0;
	[tilespmem:s10+$0x19800] =	vst v2;
	s11 =	smov.u32 s7;
	s7 =	sadd.s32 $0x40, s7  }
.Ltmp2:
0x38: {  	[tilespmem:s10+$0x1A400] =	vst v2;
	(pc) =	sbr.rel @p0 .LBB2_6-.Ltmp2, $2  }
0x39: {  	_ =	sdelay $0x2  }
0x3a: {  	s10 =	sshra.s32 s11, $0x2  }
0x3b: {  	[tilespmem:s10+$0x19800] =	vst v2  }
0x3c: {  	[tilespmem:s10+$0x1A400] =	vst v2  }
0x3d: {  	_ =	swait.ge [sflag:s0], $0x400  }
0x3e: {  	[sflag:s0] =	ssyncset.done $0x0  }
0x3f: {  	[sflag:s0] =	ssyncadd.s32 $0xFFFFFC00  }
0x40: {  	_ =	swait.ge [sflag:s3], $0x400  }
0x41: {  	[sflag:s3] =	ssyncset.done $0x0;
	s11 =	rddreg [dreg:$0x12]  }
0x42: {  	[sflag:s3] =	ssyncadd.s32 $0xFFFFFC00;
	s7 =	sadd.s32 $0x0, s11  }
0x43: {  	[tilespmem:s29], [sflag:$0x2] =	stream.linear.gather [hbm4b:s7+s2], $0x400, $0x38;
	[tilespmem:$0x1F580] =	vst v63  }
0x44: {  	_ = 	snop  }
0x45: {  	[spmem:s1] =	stream.indirect.scatter.add.f32 [tilespmem:s18], [sflag:$0x3], $0x1, s31, s28, $0xb8;
	[tilespmem:$0x1F580] =	vst v63  }
0x46: {  	_ =	swait.ge [sflag:s21], $0x400  }
0x47: {  	[sflag:s21] =	ssyncset.done $0x0  }
0x48: {  	[sflag:s21] =	ssyncadd.s32 $0xFFFFFC00  }
0x49: {  	_ =	swait.ge [sflag:s22], $0x400  }
0x4a: {  	s8 =	rddreg [dreg:$0x11]  }
0x4b: {  	[sflag:s22] =	ssyncset.done $0x0;
	s25 =	sshrl.u32 s8, $0x3  }
0x4c: {  	[sflag:s22] =	ssyncadd.s32 $0xFFFFFC00;
	s7 =	sadd.s32 s5, s25  }
0x4d: {  	[tilespmem:s31], [sflag:$0x1] =	stream.linear.gather [hbm4b:s7+s2], $0x400, $0x38;
	[tilespmem:$0x1F580] =	vst v63  }
0x4e: {  	s10 =	sadd.s32 $0x800, s8;
	s8 =	smov.u32 s11;
	s7 =	simm.s32 $0x100  }
.LBB2_8:
0x4f: {  	[spmem:s1] =	stream.indirect.scatter.add.f32 [tilespmem:s30], [sflag:$0x4], $0x1, s29, s28, $0xb8;
	[tilespmem:$0x1F580] =	vst v63  }
0x50: {  	s11 =	smov.u32 s7  }
0x51: {  	p0 =	sne.s32 s7, $0x3000;
	s7 =	sadd.s32 $0x100, s7;
	_ =	swait.ge [sflag:s0], $0x400  }
0x52: {  	[sflag:s0] =	ssyncset.done $0x0  }
0x53: {  	[sflag:s0] =	ssyncadd.s32 $0xFFFFFC00  }
0x54: {  	_ =	swait.ge [sflag:s3], $0x400  }
0x55: {  	[sflag:s3] =	ssyncset.done $0x0  }
0x56: {  	s11 =	sadd.s32 s11, s8;
	[sflag:s3] =	ssyncadd.s32 $0xFFFFFC00  }
0x57: {  	[tilespmem:s29], [sflag:$0x2] =	stream.linear.gather [hbm4b:s11+s2], $0x400, $0x38;
	[tilespmem:$0x1F580] =	vst v63  }
0x58: {  	_ = 	snop  }
0x59: {  	[spmem:s1] =	stream.indirect.scatter.add.f32 [tilespmem:s18], [sflag:$0x3], $0x1, s31, s28, $0xb8;
	[tilespmem:$0x1F580] =	vst v63  }
0x5a: {  	_ =	swait.ge [sflag:s21], $0x400  }
0x5b: {  	[sflag:s21] =	ssyncset.done $0x0  }
0x5c: {  	[sflag:s21] =	ssyncadd.s32 $0xFFFFFC00  }
.Ltmp3:
0x5d: {  	_ =	swait.ge [sflag:s22], $0x400;
	(pc) =	sbr.rel @p0 .LBB2_8-.Ltmp3, $4  }
0x5e: {  	s11 =	sshrl.u32 s10, $0x3;
	[sflag:s22] =	ssyncset.done $0x0  }
0x5f: {  	s11 =	sadd.s32 s5, s11;
	[sflag:s22] =	ssyncadd.s32 $0xFFFFFC00  }
0x60: {  	[tilespmem:s31], [sflag:$0x1] =	stream.linear.gather [hbm4b:s11+s2], $0x400, $0x38;
	[tilespmem:$0x1F580] =	vst v63  }
0x61: {  	s10 =	sadd.s32 $0x800, s10  }
0x62: {  	[spmem:s1] =	stream.indirect.scatter.add.f32 [tilespmem:s30], [sflag:$0x4], $0x1, s29, s28, $0xb8;
	[tilespmem:$0x1F580] =	vst v63  }
0x63: {  	_ =	swait.ge [sflag:s0], $0x400  }
0x64: {  	[sflag:s0] =	ssyncset.done $0x0  }
0x65: {  	[sflag:s0] =	ssyncadd.s32 $0xFFFFFC00  }
0x66: {  	_ =	swait.ge [sflag:s3], $0x400  }
0x67: {  	[sflag:s3] =	ssyncset.done $0x0  }
0x68: {  	[sflag:s3] =	ssyncadd.s32 $0xFFFFFC00  }
0x69: {  	s7 =	stileid.u32;
	[bflag:$0x0] =	sbarrier.arrive $0xFFFF  }
0x6a: {  	s7 =	sshll.u32 s7, $0x6;
	s19 =	rddreg [dreg:$0x7]  }
0x6b: {  	s8 =	sor.u32 $0x1C05, s7;
	s25 =	rddreg [dreg:$0x9]  }
0x6c: {  	[dreg:$0x14] =	wrdreg s8;
	s10 =	sshrl.u32 s19, $0x3  }
0x6d: {  	[dreg:$0x15] =	wrdreg s10  }
0x6e: {  	[hbm:s25], [sflag:s8] =	dma.local [spmem:s10], $0x320  }
0x6f: {  	_ =	swait.ge [sflag:s26], $0x320  }
0x70: {  	[sflag:s26] =	ssyncset.done $0x0  }
0x71: {  	[sflag:s26] =	ssyncadd.s32 $0xFFFFFCE0  }
0x72: {  	[tilespmem:$0x1DA00] =	vst v3  }
0x73: {  	[hbm4b:s20+s2] =	stream.linear.scatter [tilespmem:s16], [sflag:$0x5], $0x10, $0x38;
	[tilespmem:$0x1F580] =	vst v63  }
0x74: {  	_ =	swait.ge [sflag:s26], $0x10  }
0x75: {  	[sflag:s26] =	ssyncset.done $0x0  }
0x76: {  	[sflag:s26] =	ssyncadd.s32 $0xFFFFFFF0  }
.LBB2_10:
0x77: {  	[tilespmem:s9], [sflag:$0x5] =	stream.linear.gather [hbm4b:s6+s2], $0x200, $0x38;
	[tilespmem:$0x1F580] =	vst v63  }
0x78: {  	_ =	swait.ge [sflag:s26], $0x200  }
0x79: {  	[sflag:s26] =	ssyncset.done $0x0  }
0x7a: {  	[sflag:s26] =	ssyncadd.s32 $0xFFFFFE00  }
0x7b: {  	v6 =	vld [tilespmem:$0x1DA80]  }
0x7c: {  	v7 =	vld [tilespmem:$0x1DA90];
	_ =	sdelay $0x1  }
0x7d: {  	v8 =	vld [tilespmem:$0x1DAA0];
	_ =	sdelay $0x1  }
0x7e: {  	v9 =	vld [tilespmem:$0x1DAB0]  }
0x7f: {  	vm0 =	vlt.s32 v6, v7  }
0x80: {  	v6 =	vsel vm0, v6, v7;
	v7 =	vld [tilespmem:$0x1DAC0]  }
0x81: {  	vm0 =	vlt.s32 v6, v8  }
0x82: {  	v46 =	vld [tilespmem:$0x1DAD0];
	v6 =	vsel vm0, v6, v8  }
0x83: {  	vm0 =	vlt.s32 v6, v9  }
0x84: {  	v47 =	vld [tilespmem:$0x1DAE0];
	v6 =	vsel vm0, v6, v9  }
0x85: {  	vm0 =	vlt.s32 v6, v7  }
0x86: {  	v6 =	vsel vm0, v6, v7;
	v7 =	vld [tilespmem:$0x1DAF0]  }
0x87: {  	vm0 =	vlt.s32 v6, v46  }
0x88: {  	v48 =	vld [tilespmem:$0x1DB00];
	v6 =	vsel vm0, v6, v46  }
0x89: {  	vm0 =	vlt.s32 v6, v47  }
0x8a: {  	v49 =	vld [tilespmem:$0x1DB10];
	v6 =	vsel vm0, v6, v47  }
0x8b: {  	vm0 =	vlt.s32 v6, v7  }
0x8c: {  	v6 =	vsel vm0, v6, v7;
	v7 =	vld [tilespmem:$0x1DB20]  }
0x8d: {  	vm0 =	vlt.s32 v6, v48  }
0x8e: {  	v50 =	vld [tilespmem:$0x1DB30];
	v6 =	vsel vm0, v6, v48  }
0x8f: {  	vm0 =	vlt.s32 v6, v49  }
0x90: {  	v51 =	vld [tilespmem:$0x1DB40];
	v6 =	vsel vm0, v6, v49  }
0x91: {  	vm0 =	vlt.s32 v6, v7  }
0x92: {  	v6 =	vsel vm0, v6, v7;
	v7 =	vld [tilespmem:$0x1DB50]  }
0x93: {  	vm0 =	vlt.s32 v6, v50  }
0x94: {  	v52 =	vld [tilespmem:$0x1DB60];
	v6 =	vsel vm0, v6, v50  }
0x95: {  	vm0 =	vlt.s32 v6, v51  }
0x96: {  	v53 =	vld [tilespmem:$0x1DB70];
	v6 =	vsel vm0, v6, v51  }
0x97: {  	vm0 =	vlt.s32 v6, v7  }
0x98: {  	v6 =	vsel vm0, v6, v7;
	v7 =	vld [tilespmem:$0x1DB80]  }
0x99: {  	vm0 =	vlt.s32 v6, v52  }
0x9a: {  	v54 =	vld [tilespmem:$0x1DB90];
	v6 =	vsel vm0, v6, v52  }
0x9b: {  	vm0 =	vlt.s32 v6, v53  }
0x9c: {  	v55 =	vld [tilespmem:$0x1DBA0];
	v6 =	vsel vm0, v6, v53  }
0x9d: {  	vm0 =	vlt.s32 v6, v7  }
0x9e: {  	v6 =	vsel vm0, v6, v7;
	v7 =	vld [tilespmem:$0x1DBB0]  }
0x9f: {  	vm0 =	vlt.s32 v6, v54  }
0xa0: {  	v56 =	vld [tilespmem:$0x1DBC0];
	v6 =	vsel vm0, v6, v54  }
0xa1: {  	vm0 =	vlt.s32 v6, v55  }
0xa2: {  	v57 =	vld [tilespmem:$0x1DBD0];
	v6 =	vsel vm0, v6, v55  }
0xa3: {  	vm0 =	vlt.s32 v6, v7  }
0xa4: {  	v6 =	vsel vm0, v6, v7;
	v7 =	vld [tilespmem:$0x1DBE0]  }
0xa5: {  	vm0 =	vlt.s32 v6, v56  }
0xa6: {  	v58 =	vld [tilespmem:$0x1DBF0];
	v6 =	vsel vm0, v6, v56  }
0xa7: {  	vm0 =	vlt.s32 v6, v57  }
0xa8: {  	v59 =	vld [tilespmem:$0x1DC00];
	v6 =	vsel vm0, v6, v57  }
0xa9: {  	vm0 =	vlt.s32 v6, v7  }
0xaa: {  	v6 =	vsel vm0, v6, v7;
	v7 =	vld [tilespmem:$0x1DC10]  }
0xab: {  	vm0 =	vlt.s32 v6, v58  }
0xac: {  	v60 =	vld [tilespmem:$0x1DC20];
	v6 =	vsel vm0, v6, v58  }
0xad: {  	vm0 =	vlt.s32 v6, v59  }
0xae: {  	v61 =	vld [tilespmem:$0x1DC30];
	v6 =	vsel vm0, v6, v59  }
0xaf: {  	vm0 =	vlt.s32 v6, v7  }
0xb0: {  	v6 =	vsel vm0, v6, v7;
	v7 =	vld [tilespmem:$0x1DC40]  }
0xb1: {  	vm0 =	vlt.s32 v6, v60  }
0xb2: {  	v62 =	vld [tilespmem:$0x1DC50];
	v6 =	vsel vm0, v6, v60  }
0xb3: {  	vm0 =	vlt.s32 v6, v61  }
0xb4: {  	v63 =	vld [tilespmem:$0x1DC60];
	v6 =	vsel vm0, v6, v61  }
0xb5: {  	vm0 =	vlt.s32 v6, v7  }
0xb6: {  	v6 =	vsel vm0, v6, v7;
	v7 =	vld [tilespmem:$0x1DC70]  }
0xb7: {  	vm0 =	vlt.s32 v6, v62  }
0xb8: {  	v6 =	vsel vm0, v6, v62  }
0xb9: {  	vm0 =	vlt.s32 v6, v63  }
0xba: {  	v6 =	vsel vm0, v6, v63  }
0xbb: {  	vm0 =	vlt.s32 v6, v7  }
0xbc: {  	v6 =	vsel vm0, v6, v7  }
0xbd: {  	v6 =	vxor.u32 $0x80000000, v6  }
0xbe: {  	(xrf0) =	vmin.scan.msk.u32 $0xffff, v6;
	_ =	sdelay $0x5  }
0xbf: {  	v6, _, _ =	vpop (xrf0)  }
0xc0: {  	(v2sf) =	vpush v6, $0xF;
	_ =	sdelay $0xe  }
0xc1: {  	s7 =	spop (v2sf)  }
0xc2: {  	p0 =	slt.u32 s7, $0x80000001  }
.Ltmp4:
0xc3: {  	_ = 	snop;
	(pc) =	sbr.rel @p0 .LBB2_10-.Ltmp4, $1  }
0xc4: {  	_ =	sdelay $0x3  }
0xc5: {  	s7 =	simm.s32 $0x0;
	s8 =	rddreg [dreg:$0xb]  }
0xc6: {  	[tilespmem:s23], [sflag:$0x5] =	stream.linear.gather [hbm4b:s8+s7], $0xC80, $0x38;
	[tilespmem:$0x1F580] =	vst v63  }
0xc7: {  	_ =	swait.ge [sflag:s26], $0xC80  }
0xc8: {  	[sflag:s26] =	ssyncset.done $0x0  }
0xc9: {  	s10 =	simm.s32 $0x1C100;
	s25 =	rddreg [dreg:$0xc];
	[sflag:s26] =	ssyncadd.s32 $0xFFFFF380  }
0xca: {  	[tilespmem:s10], [sflag:$0x5] =	stream.linear.gather [hbm4b:s25+s7], $0xC80, $0x38;
	[tilespmem:$0x1F580] =	vst v63  }
0xcb: {  	_ =	swait.ge [sflag:s26], $0xC80  }
0xcc: {  	[sflag:s26] =	ssyncset.done $0x0  }
0xcd: {  	s16 =	simm.s32 $0x0;
	[sflag:s26] =	ssyncadd.s32 $0xFFFFF380  }
0xce: {  	v6 =	vld [tilespmem:s16+$0x1C100]  }
0xcf: {  	v7 =	vld [tilespmem:s16+$0x1A800];
	_ =	sdelay $0x3  }
0xd0: {  	s7 =	simm.s32 $0x10;
	[tilespmem:s16+$0x1A800] =	vst v4  }
0xd1: {  	v8 =	vld [tilespmem:s7+$0x1C100];
	v6 =	vadd.f32 v6, v7  }
0xd2: {  	v7 =	vld [tilespmem:s7+$0x1A800]  }
0xd3: {  	v6 =	vadd.f32 $1.000000000e+00, v6;
	_ =	sdelay $0x1  }
0xd4: {  	s17 =	simm.s32 $0x20;
	[tilespmem:s7+$0x1A800] =	vst v4;
	v9 =	vshra.s32 v6, $0x1;
	v10 =	vmul.f32 $5.000000000e-01, v6  }
0xd5: {  	v11 =	vld [tilespmem:s17+$0x1A800];
	v6 =	vsub.s32 $0x5F3759DF, v9  }
0xd6: {  	v9 =	vld [tilespmem:s17+$0x1C100];
	v7 =	vadd.f32 v8, v7;
	v8 =	vmul.f32 v6, v10;
	_ =	sdelay $0x1  }
0xd7: {  	v7 =	vadd.f32 $1.000000000e+00, v7;
	v8 =	vmul.f32 v6, v8;
	_ =	sdelay $0x1  }
0xd8: {  	s19 =	simm.s32 $0x30;
	[tilespmem:s17+$0x1A800] =	vst v4;
	v12 =	vshra.s32 v7, $0x1;
	v14 =	vmul.f32 $5.000000000e-01, v7;
	v7 =	vsub.f32 $1.500000000e+00, v8  }
0xd9: {  	v13 =	vld [tilespmem:s19+$0x1A800];
	v8 =	vsub.s32 $0x5F3759DF, v12;
	v9 =	vadd.f32 v9, v11  }
0xda: {  	v12 =	vld [tilespmem:s19+$0x1C100];
	v11 =	vmul.f32 v8, v14;
	v7 =	vmul.f32 v6, v7  }
0xdb: {  	s10 =	simm.s32 $0x40;
	[tilespmem:s19+$0x1A800] =	vst v4;
	v6 =	vadd.f32 $1.000000000e+00, v9  }
0xdc: {  	v16 =	vld [tilespmem:s10+$0x1C100];
	v9 =	vmul.f32 v8, v11;
	v11 =	vmul.f32 v7, v10  }
0xdd: {  	v17 =	vld [tilespmem:s10+$0x1A800];
	v15 =	vshra.s32 v6, $0x1;
	v6 =	vmul.f32 $5.000000000e-01, v6  }
0xde: {  	v9 =	vsub.f32 $1.500000000e+00, v9;
	v15 =	vsub.s32 $0x5F3759DF, v15;
	v11 =	vmul.f32 v11, v7  }
0xdf: {  	v12 =	vadd.f32 v12, v13;
	v13 =	vmul.f32 v15, v6  }
0xe0: {  	v8 =	vmul.f32 v8, v9;
	v9 =	vsub.f32 $1.500000000e+00, v11  }
0xe1: {  	v11 =	vadd.f32 $1.000000000e+00, v12;
	v12 =	vmul.f32 v15, v13  }
0xe2: {  	v16 =	vadd.f32 v16, v17;
	v13 =	vmul.f32 v8, v14;
	v9 =	vmul.f32 v9, v7  }
0xe3: {  	v18 =	vshra.s32 v11, $0x1;
	v7 =	vmul.f32 $5.000000000e-01, v11;
	v12 =	vsub.f32 $1.500000000e+00, v12  }
0xe4: {  	s11 =	simm.s32 $0x50;
	[tilespmem:s10+$0x1A800] =	vst v4;
	v11 =	vsub.s32 $0x5F3759DF, v18;
	v13 =	vmul.f32 v13, v8;
	v18 =	vmul.f32 v9, v10  }
0xe5: {  	v17 =	vmul.f32 v11, v7;
	v10 =	vmul.f32 v15, v12;
	v15 =	vld [tilespmem:s11+$0x1C100]  }
0xe6: {  	v12 =	vsub.f32 $1.500000000e+00, v13;
	v13 =	vmul.f32 v18, v9;
	v18 =	vadd.f32 $1.000000000e+00, v16;
	v16 =	vld [tilespmem:s11+$0x1A800]  }
0xe7: {  	v17 =	vmul.f32 v11, v17  }
0xe8: {  	v20 =	vmul.f32 v10, v6;
	v8 =	vmul.f32 v12, v8;
	v13 =	vsub.f32 $1.500000000e+00, v13  }
0xe9: {  	v21 =	vshra.s32 v18, $0x1;
	v12 =	vmul.f32 $5.000000000e-01, v18;
	v19 =	vsub.f32 $1.500000000e+00, v17  }
0xea: {  	s14 =	simm.s32 $0x60;
	s15 =	simm.s32 $0x1C0;
	[tilespmem:s11+$0x1A800] =	vst v4;
	v17 =	vmul.f32 v20, v10;
	v18 =	vsub.s32 $0x5F3759DF, v21;
	v14 =	vmul.f32 v8, v14  }
.LBB2_12:
0xeb: {  	s25 =	sshra.s32 s15, $0x2;
	p0 =	sne.s32 s15, $0x31C0;
	s15 =	sadd.s32 $0x40, s15;
	v20 =	vadd.f32 v15, v16;
	v15 =	vld [tilespmem:s14+$0x1C100];
	v21 =	vmul.f32 v18, v12;
	v19 =	vmul.f32 v11, v19;
	v22 =	vmovc v12  }
.Ltmp5:
0xec: {  	v11 =	vmovc v18;
	v16 =	vld [tilespmem:s14+$0x1A800];
	v12 =	vsub.f32 $1.500000000e+00, v17;
	v14 =	vmul.f32 v14, v8;
	v17 =	vmul.f32 v13, v9;
	v9 =	vmovc v8;
	(pc) =	sbr.rel @p0 .LBB2_12-.Ltmp5, $4  }
0xed: {  	[tilespmem:s14+$0x1A800] =	vst v4;
	v18 =	vadd.f32 $1.000000000e+00, v20;
	v20 =	vmul.f32 v11, v21;
	v21 =	vmul.f32 v19, v7  }
0xee: {  	v8 =	vmul.f32 v12, v10;
	v13 =	vsub.f32 $1.500000000e+00, v14;
	[tilespmem:s16+$0x1CD80] =	vst v17;
	v10 =	vmov v19;
	s16 =	smov.u32 s7;
	s7 =	smov.u32 s17;
	s17 =	smov.u32 s19  }
0xef: {  	s19 =	smov.u32 s10;
	s10 =	smov.u32 s11;
	s11 =	smov.u32 s14;
	v14 =	vshra.s32 v18, $0x1;
	v12 =	vmul.f32 $5.000000000e-01, v18;
	v19 =	vsub.f32 $1.500000000e+00, v20  }
0xf0: {  	s14 =	smov.u32 s25;
	v17 =	vmul.f32 v21, v10;
	v18 =	vsub.s32 $0x5F3759DF, v14;
	v14 =	vmul.f32 v8, v6;
	v6 =	vmovc v7;
	v7 =	vmovc v22  }
0xf1: {  	v20 =	vld [tilespmem:s14+$0x1C100]  }
0xf2: {  	v21 =	vld [tilespmem:s14+$0x1A800];
	_ =	sdelay $0x3  }
0xf3: {  	v15 =	vadd.f32 v15, v16  }
0xf4: {  	v47 =	vadd.f32 v20, v21  }
0xf5: {  	v15 =	vadd.f32 $1.000000000e+00, v15  }
0xf6: {  	v16 =	vadd.f32 $1.000000000e+00, v47  }
0xf7: {  	v48 =	vmul.f32 v18, v12;
	v49 =	vshra.s32 v15, $0x1;
	v15 =	vmul.f32 $5.000000000e-01, v15  }
0xf8: {  	v21 =	vsub.s32 $0x5F3759DF, v49;
	v22 =	vshra.s32 v16, $0x1;
	v16 =	vmul.f32 $5.000000000e-01, v16  }
0xf9: {  	v23 =	vmul.f32 v21, v15;
	v22 =	vsub.s32 $0x5F3759DF, v22  }
0xfa: {  	v20 =	vmul.f32 v18, v48;
	v24 =	vmul.f32 v22, v16  }
0xfb: {  	v23 =	vmul.f32 v21, v23  }
0xfc: {  	v11 =	vmul.f32 v11, v19;
	v20 =	vsub.f32 $1.500000000e+00, v20;
	v50 =	vmul.f32 v22, v24  }
0xfd: {  	v9 =	vmul.f32 v13, v9;
	v17 =	vsub.f32 $1.500000000e+00, v17;
	v52 =	vsub.f32 $1.500000000e+00, v23  }
0xfe: {  	v53 =	vmul.f32 v11, v7;
	v51 =	vmul.f32 v18, v20;
	v19 =	vsub.f32 $1.500000000e+00, v50  }
0xff: {  	v10 =	vmul.f32 v17, v10;
	v20 =	vmul.f32 v21, v52  }
0x100: {  	v54 =	vmul.f32 v51, v12;
	v19 =	vmul.f32 v22, v19  }
0x101: {  	v13 =	vmul.f32 v53, v11;
	v55 =	vmul.f32 v20, v15  }
0x102: {  	v21 =	vmul.f32 v54, v51;
	v56 =	vmul.f32 v19, v16  }
0x103: {  	v13 =	vsub.f32 $1.500000000e+00, v13;
	v22 =	vmul.f32 v55, v20  }
0x104: {  	v6 =	vmul.f32 v10, v6;
	v21 =	vsub.f32 $1.500000000e+00, v21;
	v17 =	vmul.f32 v56, v19  }
0x105: {  	v14 =	vmul.f32 v14, v8;
	v11 =	vmul.f32 v13, v11;
	v58 =	vsub.f32 $1.500000000e+00, v22  }
0x106: {  	v6 =	vmul.f32 v6, v10;
	v57 =	vmul.f32 v21, v51;
	v17 =	vsub.f32 $1.500000000e+00, v17  }
0x107: {  	v7 =	vmul.f32 v11, v7;
	v18 =	vmul.f32 v58, v20  }
0x108: {  	v59 =	vmul.f32 v57, v12;
	v17 =	vmul.f32 v17, v19  }
0x109: {  	v14 =	vsub.f32 $1.500000000e+00, v14;
	v7 =	vmul.f32 v7, v11;
	v15 =	vmul.f32 v18, v15  }
0x10a: {  	v6 =	vsub.f32 $1.500000000e+00, v6;
	v12 =	vmul.f32 v59, v57;
	v16 =	vmul.f32 v17, v16  }
0x10b: {  	[tilespmem:s14+$0x1A800] =	vst v4;
	v8 =	vmul.f32 v14, v8;
	v7 =	vsub.f32 $1.500000000e+00, v7;
	v60 =	vmul.f32 v15, v18  }
0x10c: {  	[tilespmem:s16+$0x1CD80] =	vst v9;
	v6 =	vmul.f32 v6, v10;
	v61 =	vsub.f32 $1.500000000e+00, v12;
	v62 =	vmul.f32 v16, v17  }
0x10d: {  	[tilespmem:s7+$0x1CD80] =	vst v8;
	v7 =	vmul.f32 v7, v11;
	v8 =	vsub.f32 $1.500000000e+00, v60  }
0x10e: {  	[tilespmem:s17+$0x1CD80] =	vst v6;
	v6 =	vmul.f32 v61, v57;
	v63 =	vsub.f32 $1.500000000e+00, v62  }
0x10f: {  	[tilespmem:s19+$0x1CD80] =	vst v7;
	v7 =	vmul.f32 v8, v18  }
0x110: {  	[tilespmem:s10+$0x1CD80] =	vst v6;
	v6 =	vmul.f32 v63, v17  }
0x111: {  	[tilespmem:s11+$0x1CD80] =	vst v7  }
0x112: {  	s25 =	simm.s32 $0x0;
	s8 =	rddreg [dreg:$0xd];
	[tilespmem:s14+$0x1CD80] =	vst v6  }
0x113: {  	[hbm4b:s8+s25] =	stream.linear.scatter [tilespmem:s23], [sflag:$0x5], $0xC80, $0x38;
	[tilespmem:$0x1F580] =	vst v63  }
0x114: {  	_ =	swait.ge [sflag:s26], $0xC80  }
0x115: {  	[sflag:s26] =	ssyncset.done $0x0  }
0x116: {  	s7 =	simm.s32 $0x0;
	[sflag:s26] =	ssyncadd.s32 $0xFFFFF380  }
0x117: {  	v6 =	vld [tilespmem:s7+$0x1CD80]  }
0x118: {  	s10 =	simm.s32 $0x40  }
.LBB2_14:
0x119: {  	p0 =	sne.s32 s10, $0x31C0  }
.Ltmp6:
0x11a: {  	_ = 	snop;
	(pc) =	sbr.rel @p0 .LBB2_14-.Ltmp6, $4  }
0x11b: {  	_ = 	snop  }
0x11c: {  	s11 =	sshra.s32 s10, $0x2;
	s10 =	sadd.s32 $0x40, s10;
	v7 =	vmul.f32 $9.999999740e-06, v6  }
0x11d: {  	v6 =	vld [tilespmem:s11+$0x1CD80]  }
0x11e: {  	[tilespmem:s7+$0x1A800] =	vst v7;
	s7 =	smov.u32 s11  }
0x11f: {  	_ =	sdelay $0x2  }
0x120: {  	v6 =	vmul.f32 $9.999999740e-06, v6;
	_ =	sdelay $0x1  }
0x121: {  	s25 =	rddreg [dreg:$0xe];
	[tilespmem:s7+$0x1A800] =	vst v6  }
0x122: {  	[hbm4b:s25+s2] =	stream.linear.scatter [tilespmem:s23], [sflag:$0x5], $0xC80, $0x38;
	[tilespmem:$0x1F580] =	vst v63  }
0x123: {  	_ =	swait.ge [sflag:s26], $0xC80  }
0x124: {  	[sflag:s26] =	ssyncset.done $0x0  }
0x125: {  	s7 =	simm.s32 $0x1A820;
	[sflag:s26] =	ssyncadd.s32 $0xFFFFF380  }
0x126: {  	[tilespmem:s7+$0xFFFFFFE0] =	vst v0  }
0x127: {  	[tilespmem:s7+$0x10] =	vst v0  }
0x128: {  	s10 =	simm.s32 $0x0;
	s16 =	simm.s32 $0x1DA00;
	s17 =	simm.s32 $0x19000;
	[tilespmem:s7+$0x0] =	vst v0  }
.LBB2_16:
0x129: {  	s10 =	sadd.s32 $0x4, s10  }
0x12a: {  	[tilespmem:s7+$0xFFFFFFF0] =	vst v0;
	s7 =	sadd.s32 $0x40, s7;
	p0 =	slt.u32 s10, $0x18C  }
.Ltmp7:
0x12b: {  	[tilespmem:s7+$0xFFFFFFE0] =	vst v0;
	(pc) =	sbr.rel @p0 .LBB2_16-.Ltmp7, $3  }
0x12c: {  	_ =	sdelay $0x1  }
0x12d: {  	[tilespmem:s7+$0x10] =	vst v0  }
0x12e: {  	[tilespmem:s7+$0x0] =	vst v0  }
0x12f: {  	[tilespmem:s7+$0xFFFFFFF0] =	vst v0  }
0x130: {  	s7 =	rddreg [dreg:$0x7]  }
0x131: {  	[spmem:s7] =	stream.linear.scatter [tilespmem:s23], [sflag:$0x5], $0x1900, $0x38;
	[tilespmem:$0x1F580] =	vst v63  }
0x132: {  	_ =	swait.ge [sflag:s26], $0x1900  }
0x133: {  	[sflag:s26] =	ssyncset.done $0x0  }
0x134: {  	[sflag:s26] =	ssyncadd.s32 $0xFFFFE700  }
0x135: {  	[tilespmem:$0x1DA00] =	vst v5  }
0x136: {  	[hbm4b:s20+s2] =	stream.linear.scatter [tilespmem:s16], [sflag:$0x5], $0x10, $0x38;
	[tilespmem:$0x1F580] =	vst v63  }
0x137: {  	_ =	swait.ge [sflag:s26], $0x10  }
0x138: {  	[sflag:s26] =	ssyncset.done $0x0  }
0x139: {  	[sflag:s26] =	ssyncadd.s32 $0xFFFFFFF0  }
.LBB2_18:
0x13a: {  	[tilespmem:s9], [sflag:$0x5] =	stream.linear.gather [hbm4b:s6+s2], $0x200, $0x38;
	[tilespmem:$0x1F580] =	vst v63  }
0x13b: {  	_ =	swait.ge [sflag:s26], $0x200  }
0x13c: {  	[sflag:s26] =	ssyncset.done $0x0  }
0x13d: {  	[sflag:s26] =	ssyncadd.s32 $0xFFFFFE00  }
0x13e: {  	v6 =	vld [tilespmem:$0x1DA80]  }
0x13f: {  	v7 =	vld [tilespmem:$0x1DA90];
	_ =	sdelay $0x1  }
0x140: {  	v8 =	vld [tilespmem:$0x1DAA0];
	_ =	sdelay $0x1  }
0x141: {  	v9 =	vld [tilespmem:$0x1DAB0]  }
0x142: {  	vm0 =	vlt.s32 v6, v7  }
0x143: {  	v6 =	vsel vm0, v6, v7;
	v7 =	vld [tilespmem:$0x1DAC0]  }
0x144: {  	vm0 =	vlt.s32 v6, v8  }
0x145: {  	v46 =	vld [tilespmem:$0x1DAD0];
	v6 =	vsel vm0, v6, v8  }
0x146: {  	vm0 =	vlt.s32 v6, v9  }
0x147: {  	v47 =	vld [tilespmem:$0x1DAE0];
	v6 =	vsel vm0, v6, v9  }
0x148: {  	vm0 =	vlt.s32 v6, v7  }
0x149: {  	v6 =	vsel vm0, v6, v7;
	v7 =	vld [tilespmem:$0x1DAF0]  }
0x14a: {  	vm0 =	vlt.s32 v6, v46  }
0x14b: {  	v48 =	vld [tilespmem:$0x1DB00];
	v6 =	vsel vm0, v6, v46  }
0x14c: {  	vm0 =	vlt.s32 v6, v47  }
0x14d: {  	v49 =	vld [tilespmem:$0x1DB10];
	v6 =	vsel vm0, v6, v47  }
0x14e: {  	vm0 =	vlt.s32 v6, v7  }
0x14f: {  	v6 =	vsel vm0, v6, v7;
	v7 =	vld [tilespmem:$0x1DB20]  }
0x150: {  	vm0 =	vlt.s32 v6, v48  }
0x151: {  	v50 =	vld [tilespmem:$0x1DB30];
	v6 =	vsel vm0, v6, v48  }
0x152: {  	vm0 =	vlt.s32 v6, v49  }
0x153: {  	v51 =	vld [tilespmem:$0x1DB40];
	v6 =	vsel vm0, v6, v49  }
0x154: {  	vm0 =	vlt.s32 v6, v7  }
0x155: {  	v6 =	vsel vm0, v6, v7;
	v7 =	vld [tilespmem:$0x1DB50]  }
0x156: {  	vm0 =	vlt.s32 v6, v50  }
0x157: {  	v52 =	vld [tilespmem:$0x1DB60];
	v6 =	vsel vm0, v6, v50  }
0x158: {  	vm0 =	vlt.s32 v6, v51  }
0x159: {  	v53 =	vld [tilespmem:$0x1DB70];
	v6 =	vsel vm0, v6, v51  }
0x15a: {  	vm0 =	vlt.s32 v6, v7  }
0x15b: {  	v6 =	vsel vm0, v6, v7;
	v7 =	vld [tilespmem:$0x1DB80]  }
0x15c: {  	vm0 =	vlt.s32 v6, v52  }
0x15d: {  	v54 =	vld [tilespmem:$0x1DB90];
	v6 =	vsel vm0, v6, v52  }
0x15e: {  	vm0 =	vlt.s32 v6, v53  }
0x15f: {  	v55 =	vld [tilespmem:$0x1DBA0];
	v6 =	vsel vm0, v6, v53  }
0x160: {  	vm0 =	vlt.s32 v6, v7  }
0x161: {  	v6 =	vsel vm0, v6, v7;
	v7 =	vld [tilespmem:$0x1DBB0]  }
0x162: {  	vm0 =	vlt.s32 v6, v54  }
0x163: {  	v56 =	vld [tilespmem:$0x1DBC0];
	v6 =	vsel vm0, v6, v54  }
0x164: {  	vm0 =	vlt.s32 v6, v55  }
0x165: {  	v57 =	vld [tilespmem:$0x1DBD0];
	v6 =	vsel vm0, v6, v55  }
0x166: {  	vm0 =	vlt.s32 v6, v7  }
0x167: {  	v6 =	vsel vm0, v6, v7;
	v7 =	vld [tilespmem:$0x1DBE0]  }
0x168: {  	vm0 =	vlt.s32 v6, v56  }
0x169: {  	v58 =	vld [tilespmem:$0x1DBF0];
	v6 =	vsel vm0, v6, v56  }
0x16a: {  	vm0 =	vlt.s32 v6, v57  }
0x16b: {  	v59 =	vld [tilespmem:$0x1DC00];
	v6 =	vsel vm0, v6, v57  }
0x16c: {  	vm0 =	vlt.s32 v6, v7  }
0x16d: {  	v6 =	vsel vm0, v6, v7;
	v7 =	vld [tilespmem:$0x1DC10]  }
0x16e: {  	vm0 =	vlt.s32 v6, v58  }
0x16f: {  	v60 =	vld [tilespmem:$0x1DC20];
	v6 =	vsel vm0, v6, v58  }
0x170: {  	vm0 =	vlt.s32 v6, v59  }
0x171: {  	v61 =	vld [tilespmem:$0x1DC30];
	v6 =	vsel vm0, v6, v59  }
0x172: {  	vm0 =	vlt.s32 v6, v7  }
0x173: {  	v6 =	vsel vm0, v6, v7;
	v7 =	vld [tilespmem:$0x1DC40]  }
0x174: {  	vm0 =	vlt.s32 v6, v60  }
0x175: {  	v62 =	vld [tilespmem:$0x1DC50];
	v6 =	vsel vm0, v6, v60  }
0x176: {  	vm0 =	vlt.s32 v6, v61  }
0x177: {  	v63 =	vld [tilespmem:$0x1DC60];
	v6 =	vsel vm0, v6, v61  }
0x178: {  	vm0 =	vlt.s32 v6, v7  }
0x179: {  	v6 =	vsel vm0, v6, v7;
	v7 =	vld [tilespmem:$0x1DC70]  }
0x17a: {  	vm0 =	vlt.s32 v6, v62  }
0x17b: {  	v6 =	vsel vm0, v6, v62  }
0x17c: {  	vm0 =	vlt.s32 v6, v63  }
0x17d: {  	v6 =	vsel vm0, v6, v63  }
0x17e: {  	vm0 =	vlt.s32 v6, v7  }
0x17f: {  	v6 =	vsel vm0, v6, v7  }
0x180: {  	v6 =	vxor.u32 $0x80000000, v6  }
0x181: {  	(xrf0) =	vmin.scan.msk.u32 $0xffff, v6;
	_ =	sdelay $0x5  }
0x182: {  	v6, _, _ =	vpop (xrf0)  }
0x183: {  	(v2sf) =	vpush v6, $0xF;
	_ =	sdelay $0xe  }
0x184: {  	s7 =	spop (v2sf)  }
0x185: {  	p0 =	slt.u32 s7, $0x80000002  }
.Ltmp8:
0x186: {  	_ = 	snop;
	(pc) =	sbr.rel @p0 .LBB2_18-.Ltmp8, $1  }
0x187: {  	_ =	sdelay $0x3  }
0x188: {  	s25 =	simm.s32 $0x0;
	s7 =	rddreg [dreg:$0x5]  }
0x189: {  	[tilespmem:s25], [sflag:$0x5] =	stream.linear.gather [hbm4b:s7+s25], $0x19000, $0x38;
	[tilespmem:$0x1F580] =	vst v63  }
0x18a: {  	_ =	swait.ge [sflag:s26], $0x19000  }
0x18b: {  	[sflag:s26] =	ssyncset.done $0x0  }
0x18c: {  	[sflag:s26] =	ssyncadd.s32 $0xFFFE7000  }
.LBB2_20:
0x18d: {  	s7 =	simm.s32 $0x40;
	s10 =	simm.s32 $0x0  }
.LBB2_21:
0x18e: {  	p0 =	sne.s32 s7, $0xFC0;
	[tilespmem:s10+$0x1A000] =	vst v1;
	s10 =	smov.u32 s7;
	s7 =	sadd.s32 $0x40, s7  }
.Ltmp9:
0x18f: {  	(pc) =	sbr.rel @p0 .LBB2_21-.Ltmp9, $2  }
0x190: {  	_ =	sdelay $0x2  }
0x191: {  	s10 =	sshra.s32 s10, $0x2  }
0x192: {  	[tilespmem:s10+$0x1A000] =	vst v1  }
0x193: {  	[spmem:s1] =	stream.indirect.scatter.add.f32 [tilespmem:s30], [sflag:$0x4], $0x1, s29, s28, $0xb8;
	[tilespmem:$0x1F580] =	vst v63  }
0x194: {  	s7 =	simm.s32 $0x0;
	s8 =	rddreg [dreg:$0xf]  }
0x195: {  	[tilespmem:s17], [sflag:$0x1] =	stream.linear.gather [hbm4b:s8+s7], $0x400, $0x38;
	[tilespmem:$0x1F580] =	vst v63  }
0x196: {  	s19 =	rddreg [dreg:$0x8];
	s8 =	simm.s32 $0x19C00  }
0x197: {  	[tilespmem:s31], [sflag:$0x1] =	stream.linear.gather [hbm4b:s19+s7], $0x400, $0x38;
	[tilespmem:$0x1F580] =	vst v63  }
.LBB2_23:
0x198: {  	_ =	swait.ge [sflag:s0], $0x400  }
0x199: {  	[sflag:s0] =	ssyncset.done $0x0  }
0x19a: {  	[sflag:s0] =	ssyncadd.s32 $0xFFFFFC00  }
0x19b: {  	_ =	swait.ge [sflag:s0], $0x400  }
0x19c: {  	[sflag:s0] =	ssyncset.done $0x0  }
0x19d: {  	s10 =	sshll.u32 s7, $0xB;
	[sflag:s0] =	ssyncadd.s32 $0xFFFFFC00  }
0x19e: {  	s11 =	sadd.s32 s10, s12;
	_ =	swait.ge [sflag:s3], $0x400  }
0x19f: {  	s11 =	sshrl.u32 s11, $0x3;
	[sflag:s3] =	ssyncset.done $0x0  }
0x1a0: {  	s14 =	sadd.s32 s4, s11;
	[sflag:s3] =	ssyncadd.s32 $0xFFFFFC00  }
0x1a1: {  	[tilespmem:s8], [sflag:$0x2] =	stream.linear.gather [hbm4b:s14+s2], $0x400, $0x38;
	[tilespmem:$0x1F580] =	vst v63  }
0x1a2: {  	s15 =	simm.s32 $0x19020;
	s11 =	sadd.s32 s5, s11  }
0x1a3: {  	[tilespmem:s29], [sflag:$0x2] =	stream.linear.gather [hbm4b:s11+s2], $0x400, $0x38;
	[tilespmem:$0x1F580] =	vst v63  }
0x1a4: {  	v6 =	vld [tilespmem:s15+$0x10];
	_ =	sdelay $0x1  }
0x1a5: {  	v8 =	vld [tilespmem:s15+$0xFFFFFFE0]  }
0x1a6: {  	v9 =	vld [tilespmem:s15+$0xFFFFFFF0]  }
0x1a7: {  	s19 =	simm.s32 $0x19060;
	v10 =	vld [tilespmem:s15+$0x0]  }
0x1a8: {  	v13 =	vld [tilespmem:s19+$0x10]  }
0x1a9: {  	v7 =	vld [tilespmem:s19+$0xFFFFFFF0]  }
0x1aa: {  	v12 =	vld [tilespmem:s19+$0xFFFFFFE0]  }
0x1ab: {  	v14 =	vld.idx.msk [tilespmem:v6+s2+$0x0], $0xffff  }
0x1ac: {  	v6 =	vld [tilespmem:s19+$0x0]  }
0x1ad: {  	v11 =	vld.idx.msk [tilespmem:v8+s2+$0x0], $0xffff  }
0x1ae: {  	v8 =	vld.idx.msk [tilespmem:v9+s2+$0x0], $0xffff  }
0x1af: {  	s11 =	simm.s32 $0x19820;
	v9 =	vld.idx.msk [tilespmem:v10+s2+$0x0], $0xffff  }
0x1b0: {  	s14 =	simm.s32 $0x4;
	s15 =	simm.s32 $0x190A0;
	v10 =	vld.idx.msk [tilespmem:v13+s2+$0x0], $0xffff;
	[tilespmem:s11+$0x10] =	vst v14  }
.LBB2_24:
0x1b1: {  	v13 =	vld [tilespmem:s15+$0x10];
	s14 =	sadd.s32 $0x4, s14  }
0x1b2: {  	v14 =	vld [tilespmem:s15+$0xFFFFFFF0];
	p0 =	slt.u32 s14, $0x3C;
	[tilespmem:s11+$0xFFFFFFE0] =	vst v11  }
0x1b3: {  	v15 =	vld [tilespmem:s15+$0x0];
	[tilespmem:s11+$0xFFFFFFF0] =	vst v8  }
0x1b4: {  	v16 =	vld [tilespmem:s15+$0xFFFFFFE0];
	[tilespmem:s11+$0x0] =	vst v9  }
.Ltmp10:
0x1b5: {  	s11 =	sadd.s32 $0x40, s11;
	v11 =	vld.idx.msk [tilespmem:v12+s2+$0x0], $0xffff;
	(pc) =	sbr.rel @p0 .LBB2_24-.Ltmp10, $4  }
0x1b6: {  	v8 =	vld.idx.msk [tilespmem:v7+s2+$0x0], $0xffff;
	[tilespmem:s11+$0x10] =	vst v10  }
0x1b7: {  	v9 =	vld.idx.msk [tilespmem:v6+s2+$0x0], $0xffff;
	v7 =	vmov v14  }
0x1b8: {  	v6 =	vmov v15  }
0x1b9: {  	s15 =	sadd.s32 $0x40, s15;
	v10 =	vld.idx.msk [tilespmem:v13+s2+$0x0], $0xffff;
	v12 =	vmov v16  }
0x1ba: {  	_ =	sdelay $0x3  }
0x1bb: {  	v12 =	vld.idx.msk [tilespmem:v12+s2+$0x0], $0xffff  }
0x1bc: {  	[tilespmem:s11+$0xFFFFFFE0] =	vst v11;
	v7 =	vld.idx.msk [tilespmem:v7+s2+$0x0], $0xffff  }
0x1bd: {  	v6 =	vld.idx.msk [tilespmem:v6+s2+$0x0], $0xffff;
	[tilespmem:s11+$0xFFFFFFF0] =	vst v8  }
0x1be: {  	s14 =	sadd.s32 $0x40, s11;
	[tilespmem:s11+$0x0] =	vst v9  }
0x1bf: {  	[tilespmem:s14+$0x10] =	vst v10  }
0x1c0: {  	[tilespmem:s14+$0xFFFFFFE0] =	vst v12  }
0x1c1: {  	[tilespmem:s14+$0xFFFFFFF0] =	vst v7  }
0x1c2: {  	[tilespmem:s14+$0x0] =	vst v6  }
0x1c3: {  	[spmem:s1] =	stream.indirect.scatter.add.f32 [tilespmem:s18], [sflag:$0x3], $0x1, s31, s28, $0xb8;
	[tilespmem:$0x1F580] =	vst v63  }
0x1c4: {  	_ =	swait.ge [sflag:s21], $0x400  }
0x1c5: {  	[sflag:s21] =	ssyncset.done $0x0  }
0x1c6: {  	[sflag:s21] =	ssyncadd.s32 $0xFFFFFC00  }
0x1c7: {  	_ =	swait.ge [sflag:s21], $0x400  }
0x1c8: {  	[sflag:s21] =	ssyncset.done $0x0  }
0x1c9: {  	s15 =	simm.s32 $0x19C20;
	[sflag:s21] =	ssyncadd.s32 $0xFFFFFC00  }
0x1ca: {  	v6 =	vld [tilespmem:s15+$0x10];
	_ =	sdelay $0x1  }
0x1cb: {  	v8 =	vld [tilespmem:s15+$0xFFFFFFE0]  }
0x1cc: {  	v9 =	vld [tilespmem:s15+$0xFFFFFFF0]  }
0x1cd: {  	s19 =	simm.s32 $0x19C60;
	v10 =	vld [tilespmem:s15+$0x0]  }
0x1ce: {  	v13 =	vld [tilespmem:s19+$0x10]  }
0x1cf: {  	v7 =	vld [tilespmem:s19+$0xFFFFFFF0]  }
0x1d0: {  	v12 =	vld [tilespmem:s19+$0xFFFFFFE0]  }
0x1d1: {  	v14 =	vld.idx.msk [tilespmem:v6+s2+$0x0], $0xffff  }
0x1d2: {  	v6 =	vld [tilespmem:s19+$0x0]  }
0x1d3: {  	v11 =	vld.idx.msk [tilespmem:v8+s2+$0x0], $0xffff  }
0x1d4: {  	v8 =	vld.idx.msk [tilespmem:v9+s2+$0x0], $0xffff  }
0x1d5: {  	s11 =	simm.s32 $0x1A420;
	v9 =	vld.idx.msk [tilespmem:v10+s2+$0x0], $0xffff  }
0x1d6: {  	s14 =	simm.s32 $0x4;
	s15 =	simm.s32 $0x19CA0;
	v10 =	vld.idx.msk [tilespmem:v13+s2+$0x0], $0xffff;
	[tilespmem:s11+$0x10] =	vst v14  }
.LBB2_26:
0x1d7: {  	v13 =	vld [tilespmem:s15+$0x10];
	s14 =	sadd.s32 $0x4, s14  }
0x1d8: {  	v14 =	vld [tilespmem:s15+$0xFFFFFFF0];
	p0 =	slt.u32 s14, $0x3C;
	[tilespmem:s11+$0xFFFFFFE0] =	vst v11  }
0x1d9: {  	v15 =	vld [tilespmem:s15+$0x0];
	[tilespmem:s11+$0xFFFFFFF0] =	vst v8  }
0x1da: {  	v16 =	vld [tilespmem:s15+$0xFFFFFFE0];
	[tilespmem:s11+$0x0] =	vst v9  }
.Ltmp11:
0x1db: {  	s11 =	sadd.s32 $0x40, s11;
	v11 =	vld.idx.msk [tilespmem:v12+s2+$0x0], $0xffff;
	(pc) =	sbr.rel @p0 .LBB2_26-.Ltmp11, $4  }
0x1dc: {  	v8 =	vld.idx.msk [tilespmem:v7+s2+$0x0], $0xffff;
	[tilespmem:s11+$0x10] =	vst v10  }
0x1dd: {  	v9 =	vld.idx.msk [tilespmem:v6+s2+$0x0], $0xffff;
	v7 =	vmov v14  }
0x1de: {  	v6 =	vmov v15  }
0x1df: {  	s15 =	sadd.s32 $0x40, s15;
	v10 =	vld.idx.msk [tilespmem:v13+s2+$0x0], $0xffff;
	v12 =	vmov v16  }
0x1e0: {  	_ =	sdelay $0x3  }
0x1e1: {  	v12 =	vld.idx.msk [tilespmem:v12+s2+$0x0], $0xffff  }
0x1e2: {  	[tilespmem:s11+$0xFFFFFFE0] =	vst v11;
	v7 =	vld.idx.msk [tilespmem:v7+s2+$0x0], $0xffff  }
0x1e3: {  	v6 =	vld.idx.msk [tilespmem:v6+s2+$0x0], $0xffff;
	[tilespmem:s11+$0xFFFFFFF0] =	vst v8  }
0x1e4: {  	s15 =	sadd.s32 $0x40, s11;
	[tilespmem:s11+$0x0] =	vst v9  }
0x1e5: {  	[tilespmem:s15+$0x10] =	vst v10  }
0x1e6: {  	[tilespmem:s15+$0xFFFFFFE0] =	vst v12  }
0x1e7: {  	[tilespmem:s15+$0xFFFFFFF0] =	vst v7  }
0x1e8: {  	[tilespmem:s15+$0x0] =	vst v6  }
0x1e9: {  	s10 =	sadd.s32 s10, s13;
	_ =	swait.ge [sflag:s22], $0x400  }
0x1ea: {  	s7 =	sadd.s32 $0x1, s7;
	s10 =	sshrl.u32 s10, $0x3;
	[sflag:s22] =	ssyncset.done $0x0  }
0x1eb: {  	p0 =	sne.s32 s7, $0x31;
	s19 =	sadd.s32 s4, s10;
	[sflag:s22] =	ssyncadd.s32 $0xFFFFFC00  }
0x1ec: {  	[tilespmem:s17], [sflag:$0x1] =	stream.linear.gather [hbm4b:s19+s2], $0x400, $0x38;
	[tilespmem:$0x1F580] =	vst v63  }
.Ltmp12:
0x1ed: {  	_ = 	snop;
	(pc) =	sbr.rel @p0 .LBB2_23-.Ltmp12, $4  }
0x1ee: {  	s10 =	sadd.s32 s5, s10  }
0x1ef: {  	[tilespmem:s31], [sflag:$0x1] =	stream.linear.gather [hbm4b:s10+s2], $0x400, $0x38;
	[tilespmem:$0x1F580] =	vst v63  }
0x1f0: {  	_ = 	snop  }
0x1f1: {  	[spmem:s1] =	stream.indirect.scatter.add.f32 [tilespmem:s30], [sflag:$0x4], $0x1, s29, s28, $0xb8;
	[tilespmem:$0x1F580] =	vst v63  }
0x1f2: {  	_ =	swait.ge [sflag:s0], $0x400  }
0x1f3: {  	[sflag:s0] =	ssyncset.done $0x0  }
0x1f4: {  	[sflag:s0] =	ssyncadd.s32 $0xFFFFFC00  }
0x1f5: {  	_ =	swait.ge [sflag:s0], $0x400  }
0x1f6: {  	[sflag:s0] =	ssyncset.done $0x0  }
0x1f7: {  	[sflag:s0] =	ssyncadd.s32 $0xFFFFFC00  }
0x1f8: {  	_ =	swait.ge [sflag:s3], $0x400  }
0x1f9: {  	[sflag:s3] =	ssyncset.done $0x0  }
0x1fa: {  	[sflag:s3] =	ssyncadd.s32 $0xFFFFFC00  }
0x1fb: {  	[bflag:$0x0] =	sbarrier.arrive $0xFFFF  }
0x1fc: {  	s7 =	rddreg [dreg:$0x9]  }
0x1fd: {  	s8 =	rddreg [dreg:$0x14]  }
0x1fe: {  	s10 =	rddreg [dreg:$0x15]  }
0x1ff: {  	[hbm:s7], [sflag:s8] =	dma.local [spmem:s10], $0x320  }
0x200: {  	_ =	swait.ge [sflag:s26], $0x320;
	[dreg:$0x16] =	wrdreg s25;
	s25 =	sshll.u32 s25, $0x1  }
0x201: {  	[sflag:s26] =	ssyncset.done $0x0;
	s7 =	sadd.s32 $0x3, s25  }
0x202: {  	[sflag:s26] =	ssyncadd.s32 $0xFFFFFCE0;
	v6 =	vmov s7  }
0x203: {  	[dreg:$0x17] =	wrdreg s25;
	[tilespmem:$0x1DA00] =	vst v6  }
0x204: {  	[hbm4b:s20+s2] =	stream.linear.scatter [tilespmem:s16], [sflag:$0x5], $0x10, $0x38;
	[tilespmem:$0x1F580] =	vst v63  }
0x205: {  	_ =	swait.ge [sflag:s26], $0x10  }
0x206: {  	[sflag:s26] =	ssyncset.done $0x0  }
0x207: {  	[sflag:s26] =	ssyncadd.s32 $0xFFFFFFF0  }
.LBB2_29:
0x208: {  	[tilespmem:s9], [sflag:$0x5] =	stream.linear.gather [hbm4b:s6+s2], $0x200, $0x38;
	[tilespmem:$0x1F580] =	vst v63  }
0x209: {  	_ =	swait.ge [sflag:s26], $0x200  }
0x20a: {  	[sflag:s26] =	ssyncset.done $0x0  }
0x20b: {  	[sflag:s26] =	ssyncadd.s32 $0xFFFFFE00  }
0x20c: {  	v6 =	vld [tilespmem:$0x1DA80]  }
0x20d: {  	v7 =	vld [tilespmem:$0x1DA90];
	_ =	sdelay $0x1  }
0x20e: {  	v8 =	vld [tilespmem:$0x1DAA0];
	_ =	sdelay $0x1  }
0x20f: {  	v9 =	vld [tilespmem:$0x1DAB0]  }
0x210: {  	vm0 =	vlt.s32 v6, v7  }
0x211: {  	v6 =	vsel vm0, v6, v7;
	v7 =	vld [tilespmem:$0x1DAC0]  }
0x212: {  	vm0 =	vlt.s32 v6, v8  }
0x213: {  	v46 =	vld [tilespmem:$0x1DAD0];
	v6 =	vsel vm0, v6, v8  }
0x214: {  	vm0 =	vlt.s32 v6, v9  }
0x215: {  	v47 =	vld [tilespmem:$0x1DAE0];
	v6 =	vsel vm0, v6, v9  }
0x216: {  	vm0 =	vlt.s32 v6, v7  }
0x217: {  	v6 =	vsel vm0, v6, v7;
	v7 =	vld [tilespmem:$0x1DAF0]  }
0x218: {  	vm0 =	vlt.s32 v6, v46  }
0x219: {  	v48 =	vld [tilespmem:$0x1DB00];
	v6 =	vsel vm0, v6, v46  }
0x21a: {  	vm0 =	vlt.s32 v6, v47  }
0x21b: {  	v49 =	vld [tilespmem:$0x1DB10];
	v6 =	vsel vm0, v6, v47  }
0x21c: {  	vm0 =	vlt.s32 v6, v7  }
0x21d: {  	v6 =	vsel vm0, v6, v7;
	v7 =	vld [tilespmem:$0x1DB20]  }
0x21e: {  	vm0 =	vlt.s32 v6, v48  }
0x21f: {  	v50 =	vld [tilespmem:$0x1DB30];
	v6 =	vsel vm0, v6, v48  }
0x220: {  	vm0 =	vlt.s32 v6, v49  }
0x221: {  	v51 =	vld [tilespmem:$0x1DB40];
	v6 =	vsel vm0, v6, v49  }
0x222: {  	vm0 =	vlt.s32 v6, v7  }
0x223: {  	v6 =	vsel vm0, v6, v7;
	v7 =	vld [tilespmem:$0x1DB50]  }
0x224: {  	vm0 =	vlt.s32 v6, v50  }
0x225: {  	v52 =	vld [tilespmem:$0x1DB60];
	v6 =	vsel vm0, v6, v50  }
0x226: {  	vm0 =	vlt.s32 v6, v51  }
0x227: {  	v53 =	vld [tilespmem:$0x1DB70];
	v6 =	vsel vm0, v6, v51  }
0x228: {  	vm0 =	vlt.s32 v6, v7  }
0x229: {  	v6 =	vsel vm0, v6, v7;
	v7 =	vld [tilespmem:$0x1DB80]  }
0x22a: {  	vm0 =	vlt.s32 v6, v52  }
0x22b: {  	v54 =	vld [tilespmem:$0x1DB90];
	v6 =	vsel vm0, v6, v52  }
0x22c: {  	vm0 =	vlt.s32 v6, v53  }
0x22d: {  	v55 =	vld [tilespmem:$0x1DBA0];
	v6 =	vsel vm0, v6, v53  }
0x22e: {  	vm0 =	vlt.s32 v6, v7  }
0x22f: {  	v6 =	vsel vm0, v6, v7;
	v7 =	vld [tilespmem:$0x1DBB0]  }
0x230: {  	vm0 =	vlt.s32 v6, v54  }
0x231: {  	v56 =	vld [tilespmem:$0x1DBC0];
	v6 =	vsel vm0, v6, v54  }
0x232: {  	vm0 =	vlt.s32 v6, v55  }
0x233: {  	v57 =	vld [tilespmem:$0x1DBD0];
	v6 =	vsel vm0, v6, v55  }
0x234: {  	vm0 =	vlt.s32 v6, v7  }
0x235: {  	v6 =	vsel vm0, v6, v7;
	v7 =	vld [tilespmem:$0x1DBE0]  }
0x236: {  	vm0 =	vlt.s32 v6, v56  }
0x237: {  	v58 =	vld [tilespmem:$0x1DBF0];
	v6 =	vsel vm0, v6, v56  }
0x238: {  	vm0 =	vlt.s32 v6, v57  }
0x239: {  	v59 =	vld [tilespmem:$0x1DC00];
	v6 =	vsel vm0, v6, v57  }
0x23a: {  	vm0 =	vlt.s32 v6, v7  }
0x23b: {  	v6 =	vsel vm0, v6, v7;
	v7 =	vld [tilespmem:$0x1DC10]  }
0x23c: {  	vm0 =	vlt.s32 v6, v58  }
0x23d: {  	v60 =	vld [tilespmem:$0x1DC20];
	v6 =	vsel vm0, v6, v58  }
0x23e: {  	vm0 =	vlt.s32 v6, v59  }
0x23f: {  	v61 =	vld [tilespmem:$0x1DC30];
	v6 =	vsel vm0, v6, v59  }
0x240: {  	vm0 =	vlt.s32 v6, v7  }
0x241: {  	v6 =	vsel vm0, v6, v7;
	v7 =	vld [tilespmem:$0x1DC40]  }
0x242: {  	vm0 =	vlt.s32 v6, v60  }
0x243: {  	v62 =	vld [tilespmem:$0x1DC50];
	v6 =	vsel vm0, v6, v60  }
0x244: {  	vm0 =	vlt.s32 v6, v61  }
0x245: {  	v63 =	vld [tilespmem:$0x1DC60];
	v6 =	vsel vm0, v6, v61  }
0x246: {  	vm0 =	vlt.s32 v6, v7  }
0x247: {  	v6 =	vsel vm0, v6, v7;
	v7 =	vld [tilespmem:$0x1DC70]  }
0x248: {  	vm0 =	vlt.s32 v6, v62  }
0x249: {  	v6 =	vsel vm0, v6, v62  }
0x24a: {  	vm0 =	vlt.s32 v6, v63  }
0x24b: {  	v6 =	vsel vm0, v6, v63  }
0x24c: {  	vm0 =	vlt.s32 v6, v7  }
0x24d: {  	v6 =	vsel vm0, v6, v7  }
0x24e: {  	v6 =	vxor.u32 $0x80000000, v6  }
0x24f: {  	(xrf0) =	vmin.scan.msk.u32 $0xffff, v6;
	_ =	sdelay $0x5  }
0x250: {  	v6, _, _ =	vpop (xrf0)  }
0x251: {  	(v2sf) =	vpush v6, $0xF;
	_ =	sdelay $0xe  }
0x252: {  	s10 =	spop (v2sf)  }
0x253: {  	s10 =	sxor.u32 $0x80000000, s10  }
0x254: {  	p0 =	slt.s32 s10, s7  }
.Ltmp13:
0x255: {  	_ = 	snop;
	(pc) =	sbr.rel @p0 .LBB2_29-.Ltmp13, $1  }
0x256: {  	_ =	sdelay $0x3  }
0x257: {  	s7 =	simm.s32 $0x0;
	s8 =	rddreg [dreg:$0xb]  }
0x258: {  	[tilespmem:s23], [sflag:$0x5] =	stream.linear.gather [hbm4b:s8+s7], $0xC80, $0x38;
	[tilespmem:$0x1F580] =	vst v63  }
0x259: {  	_ =	swait.ge [sflag:s26], $0xC80  }
0x25a: {  	[sflag:s26] =	ssyncset.done $0x0  }
0x25b: {  	s10 =	simm.s32 $0x1C100;
	s19 =	rddreg [dreg:$0xc];
	[sflag:s26] =	ssyncadd.s32 $0xFFFFF380  }
0x25c: {  	[tilespmem:s10], [sflag:$0x5] =	stream.linear.gather [hbm4b:s19+s7], $0xC80, $0x38;
	[tilespmem:$0x1F580] =	vst v63  }
0x25d: {  	_ =	swait.ge [sflag:s26], $0xC80  }
0x25e: {  	[sflag:s26] =	ssyncset.done $0x0  }
0x25f: {  	s20 =	simm.s32 $0x1CDA0;
	[sflag:s26] =	ssyncadd.s32 $0xFFFFF380  }
0x260: {  	v9 =	vld [tilespmem:s20+$0x10]  }
0x261: {  	v10 =	vld [tilespmem:s20+$0xFFFFFFE0]  }
0x262: {  	v11 =	vld [tilespmem:s20+$0xFFFFFFF0]  }
0x263: {  	s19 =	simm.s32 $0x1A820;
	v12 =	vld [tilespmem:s20+$0x0]  }
0x264: {  	s11 =	sadd.s32 $0x0, s24;
	s14 =	simm.s32 $0x30;
	s23 =	simm.s32 $0x1C120;
	v6 =	vld [tilespmem:s19+$0x10]  }
0x265: {  	s11 =	sand.u32 $0x3FF80, s11;
	s14 =	sand.u32 $0x70, s14;
	v7 =	vld [tilespmem:s23+$0x10]  }
0x266: {  	s14 =	sor.u32 s14, s11;
	v13 =	vld [tilespmem:s23+$0xFFFFFFE0]  }
0x267: {  	v14 =	vld [tilespmem:s14+$0x0]  }
0x268: {  	v15 =	vld [tilespmem:s19+$0xFFFFFFF0];
	(erf) = vrcp.f32 v9  }
0x269: {  	v16 =	vld [tilespmem:s23+$0xFFFFFFF0]  }
0x26a: {  	v17 =	vld [tilespmem:s19+$0x0]  }
0x26b: {  	s25 =	simm.s32 $0x10;
	s7 =	sand.u32 $0x40, s7;
	v19 =	vld [tilespmem:s19+$0xFFFFFFE0]  }
0x26c: {  	s8 =	sand.u32 $0x50, s25;
	s7 =	sor.u32 s7, s11;
	v18 =	vld [tilespmem:s23+$0x0];
	(erf) = vrcp.f32 v10  }
0x26d: {  	s10 =	sor.u32 s8, s11;
	v20 =	vld [tilespmem:s7+$0x0];
	(erf) = vrcp.f32 v11  }
0x26e: {  	v21 =	vld [tilespmem:s10+$0x0];
	s14 =	simm.s32 $0x1CDE0  }
0x26f: {  	s15 =	simm.s32 $0x20;
	v22 =	vld [tilespmem:s14+$0x10];
	v6 =	vadd.f32 v7, v6;
	(erf) = vrcp.f32 v12  }
0x270: {  	s10 =	sand.u32 $0x60, s15;
	v8 =	vld [tilespmem:s14+$0xFFFFFFE0];
	v13 =	vadd.f32 v13, v19  }
0x271: {  	s10 =	sor.u32 s10, s11;
	v7 =	vld [tilespmem:s14+$0xFFFFFFF0];
	v15 =	vadd.f32 v16, v15;
	v23 =	vadd.f32 v14, v6;
	v24 =	vpop (erf)  }
0x272: {  	v19 =	vld [tilespmem:s10+$0x0];
	v14 =	vmul.f32 v24, v14  }
0x273: {  	s7 =	simm.s32 $0x1A860;
	v6 =	vld [tilespmem:s14+$0x0];
	v13 =	vadd.f32 v20, v13;
	v15 =	vadd.f32 v21, v15;
	v9 =	vmul.f32 v23, v9  }
0x274: {  	s16 =	sadd.s32 $0x40, s24;
	s17 =	simm.s32 $0x70;
	v16 =	vld [tilespmem:s7+$0x10];
	s10 =	simm.s32 $0x1C160;
	(erf) = vrcp.f32 v22;
	v14 =	vmul.f32 $1.000000010e-01, v14  }
0x275: {  	s15 =	sand.u32 $0x3FF80, s16;
	s20 =	sand.u32 $0x70, s17;
	v25 =	vld [tilespmem:s10+$0x10];
	v10 =	vmul.f32 v13, v10;
	v11 =	vmul.f32 v15, v11;
	v23 =	vpop (erf)  }
0x276: {  	s11 =	sor.u32 s20, s15;
	(erf) = vrcp.f32 v8;
	v61 =	vmul.f32 $8.999999760e-01, v9;
	v26 =	vpop (erf)  }
0x277: {  	v17 =	vadd.f32 v18, v17;
	(erf) = vrcp.f32 v7;
	v18 =	vmul.f32 v26, v21;
	v21 =	vld [tilespmem:s11+$0x0]  }
0x278: {  	v15 =	vmul.f32 $8.999999760e-01, v10;
	(erf) = vrcp.f32 v6;
	v13 =	vadd.f32 v14, v61;
	v14 =	vpop (erf)  }
0x279: {  	v9 =	vld [tilespmem:s10+$0xFFFFFFE0];
	v20 =	vmul.f32 v23, v20;
	v62 =	vmul.f32 v14, v19;
	v14 =	vadd.f32 v19, v17  }
0x27a: {  	v11 =	vmul.f32 $8.999999760e-01, v11;
	v16 =	vadd.f32 v25, v16;
	v23 =	vld [tilespmem:s7+$0xFFFFFFF0];
	v18 =	vmul.f32 $1.000000010e-01, v18  }
0x27b: {  	v20 =	vmul.f32 $1.000000010e-01, v20;
	v17 =	vld [tilespmem:s10+$0xFFFFFFF0];
	v19 =	vmul.f32 v14, v12  }
0x27c: {  	v10 =	vld [tilespmem:s7+$0x0];
	s11 =	simm.s32 $0x40;
	v63 =	vadd.f32 v18, v11;
	v18 =	vadd.f32 v21, v16  }
0x27d: {  	s23 =	simm.s32 $0x50;
	s25 =	sand.u32 $0x40, s11;
	v20 =	vadd.f32 v20, v15;
	v12 =	vld [tilespmem:s10+$0x0]  }
0x27e: {  	s16 =	simm.s32 $0x60;
	s14 =	sand.u32 $0x50, s23;
	s25 =	sor.u32 s25, s15;
	[tilespmem:s19+$0x10] =	vst v13;
	v14 =	vld [tilespmem:s7+$0xFFFFFFE0]  }
0x27f: {  	s16 =	sand.u32 $0x60, s16;
	s17 =	sor.u32 s14, s15;
	v13 =	vld [tilespmem:s25+$0x0];
	[tilespmem:s19+$0xFFFFFFE0] =	vst v20;
	v11 =	vmul.f32 $1.000000010e-01, v62;
	v15 =	vmul.f32 $8.999999760e-01, v19;
	v19 =	vpop (erf)  }
0x280: {  	s14 =	simm.s32 $0x4;
	s25 =	sor.u32 s16, s15;
	s15 =	simm.s32 $0x1CE20;
	v16 =	vld [tilespmem:s17+$0x0];
	[tilespmem:s19+$0xFFFFFFF0] =	vst v63;
	v20 =	vmul.f32 v18, v22;
	v17 =	vadd.f32 v17, v23;
	v19 =	vmul.f32 v19, v21;
	v18 =	vpop (erf)  }
.LBB2_31:
0x281: {  	v21 =	vld [tilespmem:s15+$0x10];
	s14 =	sadd.s32 $0x4, s14;
	v22 =	vpop (erf);
	v11 =	vadd.f32 v11, v15  }
0x282: {  	v15 =	vld [tilespmem:s15+$0xFFFFFFE0];
	p0 =	slt.u32 s14, $0xC4;
	v10 =	vadd.f32 v12, v10;
	v12 =	vmul.f32 $8.999999760e-01, v20;
	v19 =	vmul.f32 $1.000000010e-01, v19;
	v20 =	vpop (erf)  }
0x283: {  	v23 =	vld [tilespmem:s15+$0xFFFFFFF0];
	v9 =	vadd.f32 v9, v14;
	[tilespmem:s19+$0x0] =	vst v11;
	s19 =	smov.u32 s7  }
0x284: {  	v14 =	vld [tilespmem:s15+$0x0];
	v11 =	vmul.f32 v18, v13;
	v12 =	vadd.f32 v19, v12  }
0x285: {  	s11 =	sadd.s32 $0x40, s11;
	s7 =	sadd.s32 $0x40, s7;
	v9 =	vadd.f32 v13, v9;
	v13 =	vmul.f32 v22, v16;
	v16 =	vadd.f32 v16, v17;
	v17 =	vld [tilespmem:s25+$0x0]  }
0x286: {  	s10 =	sadd.s32 $0x40, s10;
	s16 =	sadd.s32 s11, s24;
	s17 =	sadd.s32 $0x30, s11;
	v18 =	vld [tilespmem:s7+$0x10];
	(erf) = vrcp.f32 v21;
	v19 =	vmul.f32 $1.000000010e-01, v11;
	[tilespmem:s19+$0x10] =	vst v12  }
0x287: {  	s16 =	sand.u32 $0x3FF80, s16;
	s17 =	sand.u32 $0x70, s17;
	s25 =	sadd.s32 $0x10, s11;
	v11 =	vld [tilespmem:s10+$0x10];
	(erf) = vrcp.f32 v15;
	v12 =	vmul.f32 v9, v8;
	v8 =	vmov v15  }
0x288: {  	s8 =	sadd.s32 $0x20, s11;
	s17 =	sor.u32 s17, s16;
	s25 =	sand.u32 $0x50, s25;
	v15 =	vmul.f32 v16, v7;
	v9 =	vld [tilespmem:s10+$0xFFFFFFE0];
	(erf) = vrcp.f32 v23;
	v7 =	vmov v23  }
0x289: {  	s20 =	sand.u32 $0x40, s11;
	s8 =	sand.u32 $0x60, s8;
	s23 =	sor.u32 s25, s16;
	v13 =	vmul.f32 $1.000000010e-01, v13;
	v22 =	vld [tilespmem:s17+$0x0];
	(erf) = vrcp.f32 v14  }
0x28a: {  	s25 =	sor.u32 s8, s16;
	s17 =	sor.u32 s20, s16;
	v23 =	vmul.f32 $8.999999760e-01, v12;
	v16 =	vld [tilespmem:s7+$0xFFFFFFF0];
	v12 =	vmul.f32 v20, v17;
	v17 =	vadd.f32 v17, v10  }
0x28b: {  	v15 =	vmul.f32 $8.999999760e-01, v15;
	v20 =	vld [tilespmem:s10+$0xFFFFFFF0]  }
.Ltmp14:
0x28c: {  	v10 =	vld [tilespmem:s7+$0x0];
	v18 =	vadd.f32 v11, v18;
	v17 =	vmul.f32 v17, v6;
	v11 =	vmul.f32 $1.000000010e-01, v12;
	v6 =	vmovc v14;
	(pc) =	sbr.rel @p0 .LBB2_31-.Ltmp14, $4  }
0x28d: {  	v19 =	vadd.f32 v19, v23;
	v23 =	vadd.f32 v13, v15;
	v12 =	vld [tilespmem:s10+$0x0]  }
0x28e: {  	v14 =	vld [tilespmem:s7+$0xFFFFFFE0];
	v25 =	vadd.f32 v22, v18;
	v15 =	vmul.f32 $8.999999760e-01, v17  }
0x28f: {  	v13 =	vld [tilespmem:s17+$0x0];
	v24 =	vpop (erf);
	[tilespmem:s19+$0xFFFFFFE0] =	vst v19  }
0x290: {  	s15 =	sadd.s32 $0x40, s15;
	v17 =	vadd.f32 v20, v16;
	v16 =	vld [tilespmem:s23+$0x0];
	v19 =	vmul.f32 v24, v22;
	v20 =	vmul.f32 v25, v21;
	v18 =	vpop (erf);
	[tilespmem:s19+$0xFFFFFFF0] =	vst v23  }
0x291: {  	_ =	sdelay $0x1  }
0x292: {  	v9 =	vadd.f32 v9, v14;
	v14 =	vld [tilespmem:s25+$0x0];
	_ =	sdelay $0x1  }
0x293: {  	v9 =	vadd.f32 v13, v9  }
0x294: {  	v10 =	vadd.f32 v12, v10;
	v12 =	vmul.f32 $8.999999760e-01, v20;
	v13 =	vmul.f32 v18, v13  }
0x295: {  	v62 =	vpop (erf);
	v19 =	vmul.f32 $1.000000010e-01, v19;
	v17 =	vadd.f32 v16, v17;
	v8 =	vmul.f32 v9, v8  }
0x296: {  	v63 =	vpop (erf);
	v9 =	vmul.f32 v62, v16;
	v13 =	vmul.f32 $1.000000010e-01, v13;
	v10 =	vadd.f32 v14, v10  }
0x297: {  	v7 =	vmul.f32 v17, v7;
	v14 =	vmul.f32 v63, v14  }
0x298: {  	v11 =	vadd.f32 v11, v15;
	v8 =	vmul.f32 $8.999999760e-01, v8;
	v6 =	vmul.f32 v10, v6  }
0x299: {  	v9 =	vmul.f32 $1.000000010e-01, v9;
	v7 =	vmul.f32 $8.999999760e-01, v7;
	v10 =	vadd.f32 v19, v12  }
0x29a: {  	s23 =	rddreg [dreg:$0x16];
	[tilespmem:s19+$0x0] =	vst v11;
	v11 =	vmul.f32 $1.000000010e-01, v14;
	v8 =	vadd.f32 v13, v8;
	v6 =	vmul.f32 $8.999999760e-01, v6  }
0x29b: {  	s25 =	sadd.s32 $0x1, s23;
	v7 =	vadd.f32 v9, v7;
	[tilespmem:s7+$0x10] =	vst v10  }
0x29c: {  	s8 =	smul.u32 $0x19000, s25;
	[tilespmem:s7+$0xFFFFFFE0] =	vst v8;
	v6 =	vadd.f32 v11, v6  }
0x29d: {  	s10 =	rddreg [dreg:$0x6];
	[tilespmem:s7+$0xFFFFFFF0] =	vst v7  }
0x29e: {  	s8 =	sadd.s32 s10, s8;
	[tilespmem:s7+$0x0] =	vst v6  }
0x29f: {  	s8 =	sshrl.u32 s8, $0x3;
	s7 =	rddreg [dreg:$0x4]  }
0x2a0: {  	s23 =	simm.s32 $0x1A800;
	s7 =	sadd.s32 s7, s8  }
0x2a1: {  	[hbm4b:s7+s2] =	stream.linear.scatter [tilespmem:s23], [sflag:$0x5], $0xC80, $0x38;
	[tilespmem:$0x1F580] =	vst v63  }
0x2a2: {  	_ =	swait.ge [sflag:s26], $0xC80  }
0x2a3: {  	[sflag:s26] =	ssyncset.done $0x0  }
0x2a4: {  	s7 =	simm.s32 $0x1A820;
	[sflag:s26] =	ssyncadd.s32 $0xFFFFF380  }
0x2a5: {  	s10 =	simm.s32 $0x1CDA0;
	v11 =	vld [tilespmem:s7+$0x10]  }
0x2a6: {  	v12 =	vld [tilespmem:s10+$0x10]  }
0x2a7: {  	v8 =	vld [tilespmem:s10+$0xFFFFFFE0]  }
0x2a8: {  	v6 =	vld [tilespmem:s7+$0xFFFFFFF0]  }
0x2a9: {  	v10 =	vld [tilespmem:s10+$0xFFFFFFF0]  }
0x2aa: {  	v7 =	vld [tilespmem:s7+$0x0]  }
0x2ab: {  	v9 =	vld [tilespmem:s10+$0x0];
	v12 =	vmul.f32 v12, v11  }
0x2ac: {  	s11 =	simm.s32 $0x0;
	s14 =	simm.s32 $0x1A860;
	v11 =	vld [tilespmem:s7+$0xFFFFFFE0]  }
.LBB2_33:
0x2ad: {  	v13 =	vld [tilespmem:s14+$0x10];
	[tilespmem:s7+$0x10] =	vst v12;
	s10 =	sadd.s32 $0x40, s10  }
0x2ae: {  	s11 =	sadd.s32 $0x4, s11;
	v12 =	vld [tilespmem:s10+$0x10];
	v10 =	vmul.f32 v10, v6  }
0x2af: {  	p0 =	slt.u32 s11, $0xC4;
	v14 =	vld [tilespmem:s10+$0xFFFFFFE0]  }
.Ltmp15:
0x2b0: {  	v6 =	vld [tilespmem:s14+$0xFFFFFFF0];
	[tilespmem:s7+$0xFFFFFFF0] =	vst v10;
	v9 =	vmul.f32 v9, v7;
	(pc) =	sbr.rel @p0 .LBB2_33-.Ltmp15, $4  }
0x2b1: {  	v10 =	vld [tilespmem:s10+$0xFFFFFFF0];
	v15 =	vmul.f32 v8, v11  }
0x2b2: {  	v7 =	vld [tilespmem:s14+$0x0];
	[tilespmem:s7+$0x0] =	vst v9  }
0x2b3: {  	v9 =	vld [tilespmem:s10+$0x0];
	v12 =	vmul.f32 v12, v13;
	[tilespmem:s7+$0xFFFFFFE0] =	vst v15;
	s7 =	smov.u32 s14  }
0x2b4: {  	s14 =	sadd.s32 $0x40, s14;
	v11 =	vld [tilespmem:s7+$0xFFFFFFE0];
	v8 =	vmov v14  }
0x2b5: {  	_ =	sdelay $0x1  }
0x2b6: {  	v6 =	vmul.f32 v10, v6  }
0x2b7: {  	[tilespmem:s7+$0x10] =	vst v12;
	v7 =	vmul.f32 v9, v7  }
0x2b8: {  	[tilespmem:s7+$0xFFFFFFF0] =	vst v6;
	v6 =	vmul.f32 v8, v11  }
0x2b9: {  	[tilespmem:s7+$0x0] =	vst v7  }
0x2ba: {  	[tilespmem:s7+$0xFFFFFFE0] =	vst v6  }
0x2bb: {  	s7 =	rddreg [dreg:$0xe]  }
0x2bc: {  	[hbm4b:s7+s2] =	stream.linear.scatter [tilespmem:s23], [sflag:$0x5], $0xC80, $0x38;
	[tilespmem:$0x1F580] =	vst v63  }
0x2bd: {  	_ =	swait.ge [sflag:s26], $0xC80  }
0x2be: {  	[sflag:s26] =	ssyncset.done $0x0  }
0x2bf: {  	s7 =	simm.s32 $0x1A820;
	[sflag:s26] =	ssyncadd.s32 $0xFFFFF380  }
0x2c0: {  	[tilespmem:s7+$0xFFFFFFE0] =	vst v0  }
0x2c1: {  	[tilespmem:s7+$0x10] =	vst v0  }
0x2c2: {  	s10 =	simm.s32 $0x0;
	[tilespmem:s7+$0x0] =	vst v0  }
0x2c3: {  	s16 =	simm.s32 $0x1DA00;
	s17 =	simm.s32 $0x19000;
	s20 =	rddreg [dreg:$0xa]  }
.LBB2_35:
0x2c4: {  	s10 =	sadd.s32 $0x4, s10  }
0x2c5: {  	[tilespmem:s7+$0xFFFFFFF0] =	vst v0;
	s7 =	sadd.s32 $0x40, s7;
	p0 =	slt.u32 s10, $0x18C  }
.Ltmp16:
0x2c6: {  	[tilespmem:s7+$0xFFFFFFE0] =	vst v0;
	(pc) =	sbr.rel @p0 .LBB2_35-.Ltmp16, $3  }
0x2c7: {  	_ =	sdelay $0x1  }
0x2c8: {  	[tilespmem:s7+$0x10] =	vst v0  }
0x2c9: {  	[tilespmem:s7+$0x0] =	vst v0  }
0x2ca: {  	[tilespmem:s7+$0xFFFFFFF0] =	vst v0  }
0x2cb: {  	s7 =	rddreg [dreg:$0x7]  }
0x2cc: {  	[spmem:s7] =	stream.linear.scatter [tilespmem:s23], [sflag:$0x5], $0x1900, $0x38;
	[tilespmem:$0x1F580] =	vst v63  }
0x2cd: {  	_ =	swait.ge [sflag:s26], $0x1900  }
0x2ce: {  	s19 =	rddreg [dreg:$0x17]  }
0x2cf: {  	[sflag:s26] =	ssyncset.done $0x0;
	s7 =	sadd.s32 $0x4, s19  }
0x2d0: {  	[sflag:s26] =	ssyncadd.s32 $0xFFFFE700;
	v6 =	vmov s7  }
0x2d1: {  	[tilespmem:$0x1DA00] =	vst v6  }
0x2d2: {  	[hbm4b:s20+s2] =	stream.linear.scatter [tilespmem:s16], [sflag:$0x5], $0x10, $0x38;
	[tilespmem:$0x1F580] =	vst v63  }
0x2d3: {  	_ =	swait.ge [sflag:s26], $0x10  }
0x2d4: {  	[sflag:s26] =	ssyncset.done $0x0  }
0x2d5: {  	[sflag:s26] =	ssyncadd.s32 $0xFFFFFFF0  }
.LBB2_37:
0x2d6: {  	[tilespmem:s9], [sflag:$0x5] =	stream.linear.gather [hbm4b:s6+s2], $0x200, $0x38;
	[tilespmem:$0x1F580] =	vst v63  }
0x2d7: {  	_ =	swait.ge [sflag:s26], $0x200  }
0x2d8: {  	[sflag:s26] =	ssyncset.done $0x0  }
0x2d9: {  	[sflag:s26] =	ssyncadd.s32 $0xFFFFFE00  }
0x2da: {  	v6 =	vld [tilespmem:$0x1DA80]  }
0x2db: {  	v7 =	vld [tilespmem:$0x1DA90];
	_ =	sdelay $0x1  }
0x2dc: {  	v8 =	vld [tilespmem:$0x1DAA0];
	_ =	sdelay $0x1  }
0x2dd: {  	v9 =	vld [tilespmem:$0x1DAB0]  }
0x2de: {  	vm0 =	vlt.s32 v6, v7  }
0x2df: {  	v6 =	vsel vm0, v6, v7;
	v7 =	vld [tilespmem:$0x1DAC0]  }
0x2e0: {  	vm0 =	vlt.s32 v6, v8  }
0x2e1: {  	v46 =	vld [tilespmem:$0x1DAD0];
	v6 =	vsel vm0, v6, v8  }
0x2e2: {  	vm0 =	vlt.s32 v6, v9  }
0x2e3: {  	v47 =	vld [tilespmem:$0x1DAE0];
	v6 =	vsel vm0, v6, v9  }
0x2e4: {  	vm0 =	vlt.s32 v6, v7  }
0x2e5: {  	v6 =	vsel vm0, v6, v7;
	v7 =	vld [tilespmem:$0x1DAF0]  }
0x2e6: {  	vm0 =	vlt.s32 v6, v46  }
0x2e7: {  	v48 =	vld [tilespmem:$0x1DB00];
	v6 =	vsel vm0, v6, v46  }
0x2e8: {  	vm0 =	vlt.s32 v6, v47  }
0x2e9: {  	v49 =	vld [tilespmem:$0x1DB10];
	v6 =	vsel vm0, v6, v47  }
0x2ea: {  	vm0 =	vlt.s32 v6, v7  }
0x2eb: {  	v6 =	vsel vm0, v6, v7;
	v7 =	vld [tilespmem:$0x1DB20]  }
0x2ec: {  	vm0 =	vlt.s32 v6, v48  }
0x2ed: {  	v50 =	vld [tilespmem:$0x1DB30];
	v6 =	vsel vm0, v6, v48  }
0x2ee: {  	vm0 =	vlt.s32 v6, v49  }
0x2ef: {  	v51 =	vld [tilespmem:$0x1DB40];
	v6 =	vsel vm0, v6, v49  }
0x2f0: {  	vm0 =	vlt.s32 v6, v7  }
0x2f1: {  	v6 =	vsel vm0, v6, v7;
	v7 =	vld [tilespmem:$0x1DB50]  }
0x2f2: {  	vm0 =	vlt.s32 v6, v50  }
0x2f3: {  	v52 =	vld [tilespmem:$0x1DB60];
	v6 =	vsel vm0, v6, v50  }
0x2f4: {  	vm0 =	vlt.s32 v6, v51  }
0x2f5: {  	v53 =	vld [tilespmem:$0x1DB70];
	v6 =	vsel vm0, v6, v51  }
0x2f6: {  	vm0 =	vlt.s32 v6, v7  }
0x2f7: {  	v6 =	vsel vm0, v6, v7;
	v7 =	vld [tilespmem:$0x1DB80]  }
0x2f8: {  	vm0 =	vlt.s32 v6, v52  }
0x2f9: {  	v54 =	vld [tilespmem:$0x1DB90];
	v6 =	vsel vm0, v6, v52  }
0x2fa: {  	vm0 =	vlt.s32 v6, v53  }
0x2fb: {  	v55 =	vld [tilespmem:$0x1DBA0];
	v6 =	vsel vm0, v6, v53  }
0x2fc: {  	vm0 =	vlt.s32 v6, v7  }
0x2fd: {  	v6 =	vsel vm0, v6, v7;
	v7 =	vld [tilespmem:$0x1DBB0]  }
0x2fe: {  	vm0 =	vlt.s32 v6, v54  }
0x2ff: {  	v56 =	vld [tilespmem:$0x1DBC0];
	v6 =	vsel vm0, v6, v54  }
0x300: {  	vm0 =	vlt.s32 v6, v55  }
0x301: {  	v57 =	vld [tilespmem:$0x1DBD0];
	v6 =	vsel vm0, v6, v55  }
0x302: {  	vm0 =	vlt.s32 v6, v7  }
0x303: {  	v6 =	vsel vm0, v6, v7;
	v7 =	vld [tilespmem:$0x1DBE0]  }
0x304: {  	vm0 =	vlt.s32 v6, v56  }
0x305: {  	v58 =	vld [tilespmem:$0x1DBF0];
	v6 =	vsel vm0, v6, v56  }
0x306: {  	vm0 =	vlt.s32 v6, v57  }
0x307: {  	v59 =	vld [tilespmem:$0x1DC00];
	v6 =	vsel vm0, v6, v57  }
0x308: {  	vm0 =	vlt.s32 v6, v7  }
0x309: {  	v6 =	vsel vm0, v6, v7;
	v7 =	vld [tilespmem:$0x1DC10]  }
0x30a: {  	vm0 =	vlt.s32 v6, v58  }
0x30b: {  	v60 =	vld [tilespmem:$0x1DC20];
	v6 =	vsel vm0, v6, v58  }
0x30c: {  	vm0 =	vlt.s32 v6, v59  }
0x30d: {  	v61 =	vld [tilespmem:$0x1DC30];
	v6 =	vsel vm0, v6, v59  }
0x30e: {  	vm0 =	vlt.s32 v6, v7  }
0x30f: {  	v6 =	vsel vm0, v6, v7;
	v7 =	vld [tilespmem:$0x1DC40]  }
0x310: {  	vm0 =	vlt.s32 v6, v60  }
0x311: {  	v62 =	vld [tilespmem:$0x1DC50];
	v6 =	vsel vm0, v6, v60  }
0x312: {  	vm0 =	vlt.s32 v6, v61  }
0x313: {  	v63 =	vld [tilespmem:$0x1DC60];
	v6 =	vsel vm0, v6, v61  }
0x314: {  	vm0 =	vlt.s32 v6, v7  }
0x315: {  	v6 =	vsel vm0, v6, v7;
	v7 =	vld [tilespmem:$0x1DC70]  }
0x316: {  	vm0 =	vlt.s32 v6, v62  }
0x317: {  	v6 =	vsel vm0, v6, v62  }
0x318: {  	vm0 =	vlt.s32 v6, v63  }
0x319: {  	v6 =	vsel vm0, v6, v63  }
0x31a: {  	vm0 =	vlt.s32 v6, v7  }
0x31b: {  	v6 =	vsel vm0, v6, v7  }
0x31c: {  	v6 =	vxor.u32 $0x80000000, v6  }
0x31d: {  	(xrf0) =	vmin.scan.msk.u32 $0xffff, v6;
	_ =	sdelay $0x5  }
0x31e: {  	v6, _, _ =	vpop (xrf0)  }
0x31f: {  	(v2sf) =	vpush v6, $0xF;
	_ =	sdelay $0xe  }
0x320: {  	s8 =	spop (v2sf)  }
0x321: {  	s8 =	sxor.u32 $0x80000000, s8  }
0x322: {  	p0 =	slt.s32 s8, s7  }
.Ltmp17:
0x323: {  	_ = 	snop;
	(pc) =	sbr.rel @p0 .LBB2_37-.Ltmp17, $1  }
0x324: {  	_ =	sdelay $0x3  }
0x325: {  	p0 =	sne.s32 s25, $0xF  }
.Ltmp18:
0x326: {  	s7 =	rddreg [dreg:$0x5];
	(pc) =	sbr.rel @p0 .LBB2_20-.Ltmp18, $4  }
0x327: {  	[tilespmem:s2], [sflag:$0x5] =	stream.linear.gather [hbm4b:s7+s2], $0x19000, $0x38;
	[tilespmem:$0x1F580] =	vst v63  }
0x328: {  	_ =	swait.ge [sflag:s26], $0x19000  }
0x329: {  	[sflag:s26] =	ssyncset.done $0x0  }
0x32a: {  	[sflag:s26] =	ssyncadd.s32 $0xFFFE7000  }
0x32b: {  	s10 =	rddreg [dreg:$0x13]  }
0x32c: {  	s7 =	rddreg [dreg:$0x10];
	s10 =	sadd.s32 $0x1, s10  }
0x32d: {  	p0 =	sne.s32 s10, s7  }
.Ltmp19:
0x32e: {  	_ = 	snop;
	(pc) =	sbr.rel @p0 .LBB2_1-.Ltmp19, $1  }
0x32f: {  	_ =	sdelay $0x3  }
0x330: {  	_ =	sfence.sel $0x180000  }
0x331: {  	[bflag:$0x0] =	sbarrier.arrive $0xFFFF  }
0x332: {  	_ =	strace $0x90000047  }
0x333: {  	s0 =	stileid.u32;
	[bflag:$0x2] =	sbarrier.arrive $0xFFFF  }
0x334: {  	p0 =	sne.s32 s0, $0x0;
	s0 =	rddreg [dreg:$0x3]  }
0x335: {  	s0 =	sadd.s32 @!p0 $0x100000, s0  }
0x336: {  	[sflag:s0] =	ssyncadd.tile.s32 @!p0 $0x1;
	_ =	shalt  }
.Lfunc_end2:
_tile_overlayer_lowered:
.L_overlay_start_2:
0x337: {  	(tag) =	ssettag $0x2  }
0x338: {  	s0 =	rddreg [dreg:$0x0];
	s2 =	stileid.u32  }
0x339: {  	s1 =	rddreg [dreg:$0x1];
	p0 =	sne.s32 s2, $0x0  }
0x33a: {  	s3 =	rddreg [dreg:$0x2];
	[bflag:$0x3] =	sbarrier.arrive $0xFFFF;
	s2 =	simm.s32 @!p0 $0x1C05  }
0x33b: {  	[timem:s3], [sflag:s2] =	dma.local @!p0 [hbm:s0], s1  }
0x33c: {  	s0 =	simm.s32 @!p0 $0x5  }
0x33d: {  	_ =	swait.ge @!p0 [sflag:s0], s1  }
0x33e: {  	s1 =	ssub.s32 @!p0 $0x0, s1;
	[sflag:s0] =	ssyncset.done @!p0 $0x0  }
0x33f: {  	[sflag:s0] =	ssyncadd.s32 @!p0 s1  }
0x340: {  	[bflag:$0x3] =	sbarrier.arrive $0xFFFF  }
0x341: {  	_ =	shalt  }

</sc_bundles>
